<compile_context>
chip_gen: v7x
topology: tpu7x:2x2x1
jax: 0.10.2.dev20260603
libtpu: 0.0.44.dev20260713+nightly
codegen_flags: <defaults>
</compile_context>

<pallas_src>
import functools

import jax
import jax.numpy as jnp
from jax import lax
from jax.experimental import pallas as pl
from jax.experimental.pallas import tpu as pltpu
from jax.experimental.pallas import tpu_sc as plsc

_NC = 2
_NS = 16
_C = 80
_EW = 16


def _sc_edges(NP, EPT, NPT):
  mesh = plsc.VectorSubcoreMesh(core_axis_name="c", subcore_axis_name="s")
  CA = 128
  NF = EPT // CA
  TAIL = EPT - NF * CA
  G = NF // 2

  @functools.partial(
      pl.kernel,
      mesh=mesh,
      compiler_params=pltpu.CompilerParams(use_tc_tiling_on_sc=False),
      out_type=jax.ShapeDtypeStruct((_NC, NP, _EW), jnp.float32),
      scratch_types=[
          pltpu.VMEM((EPT,), jnp.int32),
          pltpu.VMEM((CA, _EW), jnp.float32),
          pltpu.VMEM((CA, _EW), jnp.float32),
          pltpu.VMEM_SHARED((NP, _EW), jnp.float32),
          pltpu.SemaphoreType.DMA,
          pltpu.SemaphoreType.DMA,
      ],
  )
  def sc_edges(ei_hbm, ea_hbm, ones_hbm, ze_hbm, oute_hbm,
               idx_d, ea_v0, ea_v1, acc_e, semC, semD):
    c = lax.axis_index("c")
    s = lax.axis_index("s")
    r0 = s * NPT
    eb = s * EPT
    pltpu.sync_copy(ze_hbm, acc_e.at[pl.ds(r0, NPT)])
    pltpu.sync_copy(ei_hbm.at[0].at[pl.ds(eb, EPT)], idx_d)
    plsc.subcore_barrier()

    @pl.when(c == 0)
    def _():
      pltpu.async_copy(ea_hbm.at[pl.ds(eb, CA)], ea_v0, semC)

    @pl.when(c == 1)
    def _():
      pltpu.sync_copy(ones_hbm, ea_v0)
      pltpu.sync_copy(ones_hbm, ea_v1)

    zeCA = ze_hbm.at[pl.ds(0, CA)]

    def body(g, carry):
      j0 = 2 * g
      j1 = j0 + 1

      @pl.when(c == 0)
      def _():
        pltpu.async_copy(ea_hbm.at[pl.ds(eb + j1 * CA, CA)], ea_v1, semD)
        pltpu.make_async_copy(zeCA, ea_v0, semC).wait()

      pltpu.sync_copy(ea_v0, acc_e.at[idx_d.at[pl.ds(j0 * CA, CA)]], add=True)

      @pl.when(jnp.logical_and(g < G - 1, c == 0))
      def _():
        pltpu.async_copy(ea_hbm.at[pl.ds(eb + (j0 + 2) * CA, CA)], ea_v0, semC)

      @pl.when(c == 0)
      def _():
        pltpu.make_async_copy(zeCA, ea_v1, semD).wait()

      pltpu.sync_copy(ea_v1, acc_e.at[idx_d.at[pl.ds(j1 * CA, CA)]], add=True)
      return carry

    lax.fori_loop(0, G, body, 0)

    tb = NF * CA

    @pl.when(c == 0)
    def _():
      pltpu.sync_copy(ea_hbm.at[pl.ds(eb + tb, TAIL)], ea_v0.at[pl.ds(0, TAIL)])

    pltpu.sync_copy(ea_v0.at[pl.ds(0, TAIL)],
                    acc_e.at[idx_d.at[pl.ds(tb, TAIL)]], add=True)
    plsc.subcore_barrier()
    pltpu.sync_copy(acc_e.at[pl.ds(r0, NPT)], oute_hbm.at[c].at[pl.ds(r0, NPT)])

  return sc_edges


def _sc_hagg(NP, DH, EPT, NPT):
  mesh = plsc.VectorSubcoreMesh(core_axis_name="c", subcore_axis_name="s")
  CB = 128
  NF = EPT // CB
  TAIL = EPT - NF * CB
  G = NF // 2

  @functools.partial(
      pl.kernel,
      mesh=mesh,
      compiler_params=pltpu.CompilerParams(use_tc_tiling_on_sc=False),
      out_type=jax.ShapeDtypeStruct((_NC, NP, DH), jnp.float32),
      scratch_types=[
          pltpu.VMEM((EPT,), jnp.int32),
          pltpu.VMEM((EPT,), jnp.int32),
          pltpu.VMEM((CB, DH), jnp.float32),
          pltpu.VMEM((CB, DH), jnp.float32),
          pltpu.VMEM_SHARED((NP, DH), jnp.float32),
          pltpu.SemaphoreType.DMA,
          pltpu.SemaphoreType.DMA,
      ],
  )
  def sc_hagg(ei_hbm, h_hbm, zh_hbm, outh_hbm,
              idx_s, idx_d, rows_v0, rows_v1, acc_h, semA, semB):
    c = lax.axis_index("c")
    s = lax.axis_index("s")
    r0 = s * NPT
    eb = s * EPT
    pltpu.sync_copy(zh_hbm, acc_h.at[pl.ds(r0, NPT)])
    pltpu.sync_copy(ei_hbm.at[1].at[pl.ds(eb, EPT)], idx_s)
    pltpu.sync_copy(ei_hbm.at[0].at[pl.ds(eb, EPT)], idx_d)

    def fix(k, carry):
      sl = pl.ds(k * 16, 16)
      idx_s[sl] = idx_s[sl] * 2 + c
      return carry

    lax.fori_loop(0, EPT // 16, fix, 0)
    plsc.subcore_barrier()

    pltpu.async_copy(h_hbm.at[idx_s.at[pl.ds(0, CB)]], rows_v0, semA)
    zhCB = zh_hbm.at[pl.ds(0, CB)]

    def body(g, carry):
      j0 = 2 * g
      j1 = j0 + 1
      pltpu.async_copy(h_hbm.at[idx_s.at[pl.ds(j1 * CB, CB)]], rows_v1, semB)
      pltpu.make_async_copy(zhCB, rows_v0, semA).wait()
      pltpu.sync_copy(rows_v0, acc_h.at[idx_d.at[pl.ds(j0 * CB, CB)]],
                      add=True)

      @pl.when(g < G - 1)
      def _():
        pltpu.async_copy(h_hbm.at[idx_s.at[pl.ds((j0 + 2) * CB, CB)]],
                         rows_v0, semA)

      pltpu.make_async_copy(zhCB, rows_v1, semB).wait()
      pltpu.sync_copy(rows_v1, acc_h.at[idx_d.at[pl.ds(j1 * CB, CB)]],
                      add=True)
      return carry

    lax.fori_loop(0, G, body, 0)

    tb = NF * CB
    pltpu.async_copy(h_hbm.at[idx_s.at[pl.ds(tb, TAIL)]],
                     rows_v0.at[pl.ds(0, TAIL)], semA)
    pltpu.make_async_copy(zh_hbm.at[pl.ds(0, TAIL)],
                          rows_v0.at[pl.ds(0, TAIL)], semA).wait()
    pltpu.sync_copy(rows_v0.at[pl.ds(0, TAIL)],
                    acc_h.at[idx_d.at[pl.ds(tb, TAIL)]], add=True)
    plsc.subcore_barrier()
    pltpu.sync_copy(acc_h.at[pl.ds(r0, NPT)], outh_hbm.at[c].at[pl.ds(r0, NPT)])

  return sc_hagg


def _tc_final(h, ph, pe, W, elast, N, D, DE, DOUT, DH):
  B = 400

  def body(h_ref, ph_ref, pe_ref, w_ref, el_ref, o_ref):
    hb = h_ref[...]
    ah0 = ph_ref[0]
    ah1 = ph_ref[1]
    ae = pe_ref[0]
    cnt = pe_ref[1][:, 0:1]
    inv = 1.0 / jnp.maximum(cnt, 1.0)
    iso = cnt == 0.0
    w1 = w_ref[:D]
    w2 = w_ref[D:2 * D]
    w3 = w_ref[2 * D:]
    dot = functools.partial(jnp.dot, preferred_element_type=jnp.float32)
    base = dot(hb, w1)
    agg = (dot(ah0, w2[:DH]) + dot(ah1, w2[DH:]) + dot(ae, w3)) * inv
    iso_mm = dot(hb, w2) + dot(el_ref[0:1, :], w3)
    out = base + jnp.where(iso, iso_mm, agg)
    o_ref[...] = jnp.where(out > 0.0, out, jnp.exp(out) - 1.0)

  return pl.pallas_call(
      body,
      grid=(N // B,),
      in_specs=[
          pl.BlockSpec((B, D), lambda i: (i, 0)),
          pl.BlockSpec((_NC, B, DH), lambda i: (0, i, 0)),
          pl.BlockSpec((_NC, B, _EW), lambda i: (0, i, 0)),
          pl.BlockSpec((2 * D + DE, DOUT), lambda i: (0, 0)),
          pl.BlockSpec((8, DE), lambda i: (0, 0)),
      ],
      out_specs=pl.BlockSpec((B, DOUT), lambda i: (i, 0)),
      out_shape=jax.ShapeDtypeStruct((N, DOUT), jnp.float32),
  )(h, ph, pe, W, elast)


def kernel(h, edge_index, edge_attr, W):
  N, D = h.shape
  E = edge_index.shape[1]
  DE = edge_attr.shape[1]
  DOUT = W.shape[1]
  DH = D // _NC

  ept = E // _NS
  nch = ept // _C
  npt = -(-(N // _NS) // 8) * 8
  np_ = npt * _NS

  ones_c = jnp.concatenate(
      [jnp.ones((128, 1), jnp.float32),
       jnp.zeros((128, _EW - 1), jnp.float32)], axis=1)
  h_view = h.reshape(_NC * N, DH)
  zh = jnp.zeros((npt, DH), jnp.float32)
  ze = jnp.zeros((npt, _EW), jnp.float32)

  pe = _sc_edges(np_, ept, npt)(edge_index, edge_attr, ones_c, ze)
  ph = _sc_hagg(np_, DH, ept, npt)(edge_index, h_view, zh)

  elast = jnp.broadcast_to(edge_attr[-1], (8, DE))
  return _tc_final(h, ph, pe, W, elast, N, D, DE, DOUT, DH)

# --- scband reference (transcript-rebuilt; emitter-appended) ---
"""Pipeline reference for scband-graph-sagelayer-51565377356363 (READ-ONLY COPY).

The authoritative reference and input builder live on the scoring server;
editing this copy changes nothing except your own understanding.
"""

import jax, jax.numpy as jnp
import numpy as np

N = 10000
E = 320000
D = 128
DE = 16
DOUT = 128


def setup_inputs(seed: int = 0) -> dict:
    key = jax.random.key(seed)
    k1, k2, k3, k4 = jax.random.split(key, 4)
    h = jax.random.normal(k1, (N, D), dtype=jnp.float32)
    edge_index = jax.random.randint(k2, (2, E), 0, N, dtype=jnp.int32)
    edge_attr = jax.random.normal(k3, (E, DE), dtype=jnp.float32)
    fan_in = 2 * D + DE
    limit = float(np.sqrt(6.0 / (fan_in + DOUT)))
    W = jax.random.uniform(k4, (fan_in, DOUT), minval=-limit, maxval=limit, dtype=jnp.float32)
    return {"h": h, "edge_index": edge_index, "edge_attr": edge_attr, "W": W}


def reference(h, edge_index, edge_attr, W):
    # graphSAGE 'mean' aggregator, tensorized:
    # aggregate_neighbors[i] = list of (neighbor, edge_id); here edge_index[0]=dst node i,
    # edge_index[1]=neighbor, edge_id = edge row (edge_attr row).
    dst = edge_index[0]
    src = edge_index[1]
    # neighbor_features = h[all_neighbor_indices]
    neigh = jnp.take(h, src, axis=0)
    # concatenated_features = cat([neighbor_features, edge_features_batch], dim=1)
    concat = jnp.concatenate([neigh, edge_attr], axis=1)
    # grouped mean per destination node (cumsum-slice mean in torch -> segment mean)
    sums = jax.ops.segment_sum(concat, dst, num_segments=N)
    counts = jax.ops.segment_sum(jnp.ones((E,), dtype=concat.dtype), dst, num_segments=N)
    means = sums / jnp.maximum(counts, 1.0)[:, None]
    # isolated node path: aggregate_neighbors[i] == [-1] -> use own features with edge_features[-1]
    iso = (counts == 0.0)[:, None]
    self_concat = jnp.concatenate([h, jnp.broadcast_to(edge_attr[-1], (N, DE))], axis=1)
    agg = jnp.where(iso, self_concat, means)
    # feat = cat([h, aggregate_features], dim=1); out = feat @ W; F.elu(out)
    feat = jnp.concatenate([h, agg], axis=1)
    out = feat @ W
    return jax.nn.elu(out)

if __name__ == "__main__":
    import jax
    _d = setup_inputs()
    print(jax.jit(kernel)(*tuple(_d.values())))

</pallas_src>

<mosaic_0001>
#map = affine_map<(d0, d1) -> (0, 0)>
#map1 = affine_map<(d0, d1) -> (0, 0, 0)>
module attributes {stable_mosaic.version = 14 : i64} {
  func.func @sc_edges(%arg0: i32, %arg1: i32, %arg2: memref<2x320000xi32, #tpu.memory_space<hbm>>, %arg3: memref<320000x16xf32, #tpu.memory_space<hbm>>, %arg4: memref<128x16xf32, #tpu.memory_space<hbm>>, %arg5: memref<632x16xf32, #tpu.memory_space<hbm>>, %arg6: memref<2x10112x16xf32, #tpu.memory_space<hbm>>, %arg7: memref<20000xi32, #tpu.memory_space<vmem>>, %arg8: memref<128x16xf32, #tpu.memory_space<vmem>>, %arg9: memref<128x16xf32, #tpu.memory_space<vmem>>, %arg10: memref<10112x16xf32, #tpu.memory_space<vmem_shared>>, %arg11: memref<!tpu.dma_semaphore, #tpu.memory_space<semaphore_mem>>, %arg12: memref<!tpu.dma_semaphore, #tpu.memory_space<semaphore_mem>>) attributes {dimension_semantics = [#tpu.dimension_semantics<core_parallel>, #tpu.dimension_semantics<subcore_parallel>], iteration_bounds = array<i64: 2, 16>, scalar_prefetch = 0 : i64, scratch_operands = 6 : i64, tpu.core_type = #tpu.core_type<sc_vector_subcore>, window_params = [{transform_indices = #map}, {transform_indices = #map}, {transform_indices = #map}, {transform_indices = #map}, {transform_indices = #map1}]} {
    %mul3A = arith.constant 632 : i32
    %mul3A_0 = arith.muli %arg1, %mul3A : i32
    %mul3A_1 = arith.constant 20000 : i32
    %mul3A_2 = arith.muli %arg1, %mul3A_1 : i32
    "tpu.region"() ({
      %run_scoped3A_21 = tpu.sem_alloc : memref<!tpu.dma_semaphore, #tpu.memory_space<semaphore_mem>>
      %dma_start3A = arith.constant 0 : i32
      %dma_start3A_22 = tpu.memref_slice %arg10[%mul3A_0, %dma_start3A] : memref<10112x16xf32, #tpu.memory_space<vmem_shared>> -> memref<632x16xf32, #tpu.memory_space<vmem_shared>>
      tpu.enqueue_dma source(%arg5 : memref<632x16xf32, #tpu.memory_space<hbm>>) target(%dma_start3A_22 : memref<632x16xf32, #tpu.memory_space<vmem_shared>>) target_semaphore(%run_scoped3A_21 : memref<!tpu.dma_semaphore, #tpu.memory_space<semaphore_mem>>)
      %dma_wait3A = arith.constant 0 : i32
      %dma_wait3A_23 = tpu.memref_slice %arg10[%mul3A_0, %dma_wait3A] : memref<10112x16xf32, #tpu.memory_space<vmem_shared>> -> memref<632x16xf32, #tpu.memory_space<vmem_shared>>
      tpu.wait_dma2 semaphore(%run_scoped3A_21 : memref<!tpu.dma_semaphore, #tpu.memory_space<semaphore_mem>>) src(%arg5 : memref<632x16xf32, #tpu.memory_space<hbm>>) dst(%dma_wait3A_23 : memref<632x16xf32, #tpu.memory_space<vmem_shared>>)
      tpu.yield
    }) : () -> ()
    %run_scoped3A = arith.constant 0 : i32
    "tpu.region"() ({
      %run_scoped3A_21 = tpu.sem_alloc : memref<!tpu.dma_semaphore, #tpu.memory_space<semaphore_mem>>
      %dma_start3A = arith.constant 0 : i32
      %dma_start3A_22 = tpu.memref_slice %arg2[%run_scoped3A, %dma_start3A] : memref<2x320000xi32, #tpu.memory_space<hbm>> -> memref<1x320000xi32, #tpu.memory_space<hbm>>
      %dma_start3A_23 = tpu.memref_squeeze %dma_start3A_22 : memref<1x320000xi32, #tpu.memory_space<hbm>> -> memref<320000xi32, #tpu.memory_space<hbm>>
      %dma_start3A_24 = tpu.memref_slice %dma_start3A_23[%mul3A_2] : memref<320000xi32, #tpu.memory_space<hbm>> -> memref<20000xi32, #tpu.memory_space<hbm>>
      %dma_start3A_25 = arith.constant 0 : i32
      %dma_start3A_26 = tpu.memref_slice %arg2[%run_scoped3A, %dma_start3A_25] : memref<2x320000xi32, #tpu.memory_space<hbm>> -> memref<1x320000xi32, #tpu.memory_space<hbm>>
      %dma_start3A_27 = tpu.memref_squeeze %dma_start3A_26 : memref<1x320000xi32, #tpu.memory_space<hbm>> -> memref<320000xi32, #tpu.memory_space<hbm>>
      %dma_start3A_28 = tpu.memref_slice %dma_start3A_27[%mul3A_2] : memref<320000xi32, #tpu.memory_space<hbm>> -> memref<20000xi32, #tpu.memory_space<hbm>>
      tpu.enqueue_dma source(%dma_start3A_28 : memref<20000xi32, #tpu.memory_space<hbm>>) target(%arg7 : memref<20000xi32, #tpu.memory_space<vmem>>) target_semaphore(%run_scoped3A_21 : memref<!tpu.dma_semaphore, #tpu.memory_space<semaphore_mem>>)
      %dma_wait3A = arith.constant 0 : i32
      %dma_wait3A_29 = tpu.memref_slice %arg2[%run_scoped3A, %dma_wait3A] : memref<2x320000xi32, #tpu.memory_space<hbm>> -> memref<1x320000xi32, #tpu.memory_space<hbm>>
      %dma_wait3A_30 = tpu.memref_squeeze %dma_wait3A_29 : memref<1x320000xi32, #tpu.memory_space<hbm>> -> memref<320000xi32, #tpu.memory_space<hbm>>
      %dma_wait3A_31 = tpu.memref_slice %dma_wait3A_30[%mul3A_2] : memref<320000xi32, #tpu.memory_space<hbm>> -> memref<20000xi32, #tpu.memory_space<hbm>>
      %dma_wait3A_32 = arith.constant 0 : i32
      %dma_wait3A_33 = tpu.memref_slice %arg2[%run_scoped3A, %dma_wait3A_32] : memref<2x320000xi32, #tpu.memory_space<hbm>> -> memref<1x320000xi32, #tpu.memory_space<hbm>>
      %dma_wait3A_34 = tpu.memref_squeeze %dma_wait3A_33 : memref<1x320000xi32, #tpu.memory_space<hbm>> -> memref<320000xi32, #tpu.memory_space<hbm>>
      %dma_wait3A_35 = tpu.memref_slice %dma_wait3A_34[%mul3A_2] : memref<320000xi32, #tpu.memory_space<hbm>> -> memref<20000xi32, #tpu.memory_space<hbm>>
      tpu.wait_dma2 semaphore(%run_scoped3A_21 : memref<!tpu.dma_semaphore, #tpu.memory_space<semaphore_mem>>) src(%dma_wait3A_35 : memref<20000xi32, #tpu.memory_space<hbm>>) dst(%arg7 : memref<20000xi32, #tpu.memory_space<vmem>>)
      tpu.yield
    }) : () -> ()
    %barrier3A = arith.constant 0 : index
    tpu.barrier barrier_id(%barrier3A)
    %eq3A = arith.constant 0 : i32
    %eq3A_3 = arith.cmpi eq, %arg0, %eq3A : i32
    %convert_element_type3A = arith.extui %eq3A_3 : i1 to i32
    %cond3A = arith.constant 0 : i32
    %cond3A_4 = arith.cmpi ne, %convert_element_type3A, %cond3A : i32
    scf.if %cond3A_4 {
      %dma_start3A = arith.constant 0 : i32
      %dma_start3A_21 = tpu.memref_slice %arg3[%mul3A_2, %dma_start3A] : memref<320000x16xf32, #tpu.memory_space<hbm>> -> memref<128x16xf32, #tpu.memory_space<hbm>>
      %dma_start3A_22 = arith.constant 0 : i32
      %dma_start3A_23 = tpu.memref_slice %arg3[%mul3A_2, %dma_start3A_22] : memref<320000x16xf32, #tpu.memory_space<hbm>> -> memref<128x16xf32, #tpu.memory_space<hbm>>
      tpu.enqueue_dma source(%dma_start3A_23 : memref<128x16xf32, #tpu.memory_space<hbm>>) target(%arg8 : memref<128x16xf32, #tpu.memory_space<vmem>>) target_semaphore(%arg11 : memref<!tpu.dma_semaphore, #tpu.memory_space<semaphore_mem>>)
    } else {
    }
    %eq3A_5 = arith.constant 1 : i32
    %eq3A_6 = arith.cmpi eq, %arg0, %eq3A_5 : i32
    %convert_element_type3A_7 = arith.extui %eq3A_6 : i1 to i32
    %cond3A_8 = arith.constant 0 : i32
    %cond3A_9 = arith.cmpi ne, %convert_element_type3A_7, %cond3A_8 : i32
    scf.if %cond3A_9 {
      "tpu.region"() ({
        %run_scoped3A_21 = tpu.sem_alloc : memref<!tpu.dma_semaphore, #tpu.memory_space<semaphore_mem>>
        tpu.enqueue_dma source(%arg4 : memref<128x16xf32, #tpu.memory_space<hbm>>) target(%arg8 : memref<128x16xf32, #tpu.memory_space<vmem>>) target_semaphore(%run_scoped3A_21 : memref<!tpu.dma_semaphore, #tpu.memory_space<semaphore_mem>>)
        tpu.wait_dma2 semaphore(%run_scoped3A_21 : memref<!tpu.dma_semaphore, #tpu.memory_space<semaphore_mem>>) src(%arg4 : memref<128x16xf32, #tpu.memory_space<hbm>>) dst(%arg8 : memref<128x16xf32, #tpu.memory_space<vmem>>)
        tpu.yield
      }) : () -> ()
      "tpu.region"() ({
        %run_scoped3A_21 = tpu.sem_alloc : memref<!tpu.dma_semaphore, #tpu.memory_space<semaphore_mem>>
        tpu.enqueue_dma source(%arg4 : memref<128x16xf32, #tpu.memory_space<hbm>>) target(%arg9 : memref<128x16xf32, #tpu.memory_space<vmem>>) target_semaphore(%run_scoped3A_21 : memref<!tpu.dma_semaphore, #tpu.memory_space<semaphore_mem>>)
        tpu.wait_dma2 semaphore(%run_scoped3A_21 : memref<!tpu.dma_semaphore, #tpu.memory_space<semaphore_mem>>) src(%arg4 : memref<128x16xf32, #tpu.memory_space<hbm>>) dst(%arg9 : memref<128x16xf32, #tpu.memory_space<vmem>>)
        tpu.yield
      }) : () -> ()
    } else {
    }
    %scan3A = arith.constant 0 : i32
    %scan3A_10 = arith.constant 0 : i32
    %scan3A_11 = arith.constant 78 : i32
    %scan3A_12 = arith.addi %scan3A_10, %scan3A_11 : i32
    %scan3A_13 = arith.constant 1 : i32
    scf.for %scan3A_21 = %scan3A_10 to %scan3A_12 step %scan3A_13  : i32 {
      %mul3A_22 = arith.constant 2 : i32
      %mul3A_23 = arith.muli %mul3A_22, %scan3A_21 : i32
      %add3A = arith.constant 1 : i32
      %add3A_24 = arith.addi %mul3A_23, %add3A : i32
      %eq3A_25 = arith.constant 0 : i32
      %eq3A_26 = arith.cmpi eq, %arg0, %eq3A_25 : i32
      %convert_element_type3A_27 = arith.extui %eq3A_26 : i1 to i32
      %cond3A_28 = arith.constant 0 : i32
      %cond3A_29 = arith.cmpi ne, %convert_element_type3A_27, %cond3A_28 : i32
      scf.if %cond3A_29 {
        %mul3A_45 = arith.constant 128 : i32
        %mul3A_46 = arith.muli %add3A_24, %mul3A_45 : i32
        %add3A_47 = arith.addi %mul3A_2, %mul3A_46 : i32
        %dma_start3A = arith.constant 0 : i32
        %dma_start3A_48 = tpu.memref_slice %arg3[%add3A_47, %dma_start3A] : memref<320000x16xf32, #tpu.memory_space<hbm>> -> memref<128x16xf32, #tpu.memory_space<hbm>>
        %dma_start3A_49 = arith.constant 0 : i32
        %dma_start3A_50 = tpu.memref_slice %arg3[%add3A_47, %dma_start3A_49] : memref<320000x16xf32, #tpu.memory_space<hbm>> -> memref<128x16xf32, #tpu.memory_space<hbm>>
        tpu.enqueue_dma source(%dma_start3A_50 : memref<128x16xf32, #tpu.memory_space<hbm>>) target(%arg9 : memref<128x16xf32, #tpu.memory_space<vmem>>) target_semaphore(%arg12 : memref<!tpu.dma_semaphore, #tpu.memory_space<semaphore_mem>>)
        %dma_wait3A = arith.constant 0 : i32
        %dma_wait3A_51 = arith.constant 0 : i32
        %dma_wait3A_52 = tpu.memref_slice %arg5[%dma_wait3A, %dma_wait3A_51] : memref<632x16xf32, #tpu.memory_space<hbm>> -> memref<128x16xf32, #tpu.memory_space<hbm>>
        %dma_wait3A_53 = arith.constant 0 : i32
        %dma_wait3A_54 = arith.constant 0 : i32
        %dma_wait3A_55 = tpu.memref_slice %arg5[%dma_wait3A_53, %dma_wait3A_54] : memref<632x16xf32, #tpu.memory_space<hbm>> -> memref<128x16xf32, #tpu.memory_space<hbm>>
        tpu.wait_dma2 semaphore(%arg11 : memref<!tpu.dma_semaphore, #tpu.memory_space<semaphore_mem>>) src(%dma_wait3A_55 : memref<128x16xf32, #tpu.memory_space<hbm>>) dst(%arg8 : memref<128x16xf32, #tpu.memory_space<vmem>>)
      } else {
      }
      %mul3A_30 = arith.constant 128 : i32
      %mul3A_31 = arith.muli %mul3A_23, %mul3A_30 : i32
      "tpu.region"() ({
        %run_scoped3A_45 = tpu.sem_alloc : memref<!tpu.dma_semaphore, #tpu.memory_space<semaphore_mem>>
        %dma_start3A = tpu.memref_slice %arg7[%mul3A_31] : memref<20000xi32, #tpu.memory_space<vmem>> -> memref<128xi32, #tpu.memory_space<vmem>>
        %dma_start3A_46 = arith.constant 0 : i32
        %dma_start3A_47 = arith.constant 0 : i32
        %dma_start3A_48 = tpu.memref_slice %arg10[%dma_start3A_46, %dma_start3A_47] : memref<10112x16xf32, #tpu.memory_space<vmem_shared>> -> memref<10112x16xf32, #tpu.memory_space<vmem_shared>>
        tpu.enqueue_indirect_dma source(%arg8 : memref<128x16xf32, #tpu.memory_space<vmem>>) target(%dma_start3A_48 : memref<10112x16xf32, #tpu.memory_space<vmem_shared>>) offsets(%dma_start3A : memref<128xi32, #tpu.memory_space<vmem>>) semaphore(%run_scoped3A_45 : memref<!tpu.dma_semaphore, #tpu.memory_space<semaphore_mem>>) {add = true}
        %dma_wait3A = tpu.memref_slice %arg7[%mul3A_31] : memref<20000xi32, #tpu.memory_space<vmem>> -> memref<128xi32, #tpu.memory_space<vmem>>
        %dma_wait3A_49 = arith.constant 0 : i32
        %dma_wait3A_50 = arith.constant 0 : i32
        %dma_wait3A_51 = tpu.memref_slice %arg10[%dma_wait3A_49, %dma_wait3A_50] : memref<10112x16xf32, #tpu.memory_space<vmem_shared>> -> memref<10112x16xf32, #tpu.memory_space<vmem_shared>>
        tpu.wait_indirect_dma semaphore(%run_scoped3A_45 : memref<!tpu.dma_semaphore, #tpu.memory_space<semaphore_mem>>) src(%arg8 : memref<128x16xf32, #tpu.memory_space<vmem>>) dst(%dma_wait3A_51 : memref<10112x16xf32, #tpu.memory_space<vmem_shared>>)
        tpu.yield
      }) : () -> ()
      %lt3A = arith.constant 77 : i32
      %lt3A_32 = arith.cmpi slt, %scan3A_21, %lt3A : i32
      %eq3A_33 = arith.constant 0 : i32
      %eq3A_34 = arith.cmpi eq, %arg0, %eq3A_33 : i32
      %and3A = arith.andi %lt3A_32, %eq3A_34 : i1
      %convert_element_type3A_35 = arith.extui %and3A : i1 to i32
      %cond3A_36 = arith.constant 0 : i32
      %cond3A_37 = arith.cmpi ne, %convert_element_type3A_35, %cond3A_36 : i32
      scf.if %cond3A_37 {
        %add3A_45 = arith.constant 2 : i32
        %add3A_46 = arith.addi %mul3A_23, %add3A_45 : i32
        %mul3A_47 = arith.constant 128 : i32
        %mul3A_48 = arith.muli %add3A_46, %mul3A_47 : i32
        %add3A_49 = arith.addi %mul3A_2, %mul3A_48 : i32
        %dma_start3A = arith.constant 0 : i32
        %dma_start3A_50 = tpu.memref_slice %arg3[%add3A_49, %dma_start3A] : memref<320000x16xf32, #tpu.memory_space<hbm>> -> memref<128x16xf32, #tpu.memory_space<hbm>>
        %dma_start3A_51 = arith.constant 0 : i32
        %dma_start3A_52 = tpu.memref_slice %arg3[%add3A_49, %dma_start3A_51] : memref<320000x16xf32, #tpu.memory_space<hbm>> -> memref<128x16xf32, #tpu.memory_space<hbm>>
        tpu.enqueue_dma source(%dma_start3A_52 : memref<128x16xf32, #tpu.memory_space<hbm>>) target(%arg8 : memref<128x16xf32, #tpu.memory_space<vmem>>) target_semaphore(%arg11 : memref<!tpu.dma_semaphore, #tpu.memory_space<semaphore_mem>>)
      } else {
      }
      %eq3A_38 = arith.constant 0 : i32
      %eq3A_39 = arith.cmpi eq, %arg0, %eq3A_38 : i32
      %convert_element_type3A_40 = arith.extui %eq3A_39 : i1 to i32
      %cond3A_41 = arith.constant 0 : i32
      %cond3A_42 = arith.cmpi ne, %convert_element_type3A_40, %cond3A_41 : i32
      scf.if %cond3A_42 {
        %dma_wait3A = arith.constant 0 : i32
        %dma_wait3A_45 = arith.constant 0 : i32
        %dma_wait3A_46 = tpu.memref_slice %arg5[%dma_wait3A, %dma_wait3A_45] : memref<632x16xf32, #tpu.memory_space<hbm>> -> memref<128x16xf32, #tpu.memory_space<hbm>>
        %dma_wait3A_47 = arith.constant 0 : i32
        %dma_wait3A_48 = arith.constant 0 : i32
        %dma_wait3A_49 = tpu.memref_slice %arg5[%dma_wait3A_47, %dma_wait3A_48] : memref<632x16xf32, #tpu.memory_space<hbm>> -> memref<128x16xf32, #tpu.memory_space<hbm>>
        tpu.wait_dma2 semaphore(%arg12 : memref<!tpu.dma_semaphore, #tpu.memory_space<semaphore_mem>>) src(%dma_wait3A_49 : memref<128x16xf32, #tpu.memory_space<hbm>>) dst(%arg9 : memref<128x16xf32, #tpu.memory_space<vmem>>)
      } else {
      }
      %mul3A_43 = arith.constant 128 : i32
      %mul3A_44 = arith.muli %add3A_24, %mul3A_43 : i32
      "tpu.region"() ({
        %run_scoped3A_45 = tpu.sem_alloc : memref<!tpu.dma_semaphore, #tpu.memory_space<semaphore_mem>>
        %dma_start3A = tpu.memref_slice %arg7[%mul3A_44] : memref<20000xi32, #tpu.memory_space<vmem>> -> memref<128xi32, #tpu.memory_space<vmem>>
        %dma_start3A_46 = arith.constant 0 : i32
        %dma_start3A_47 = arith.constant 0 : i32
        %dma_start3A_48 = tpu.memref_slice %arg10[%dma_start3A_46, %dma_start3A_47] : memref<10112x16xf32, #tpu.memory_space<vmem_shared>> -> memref<10112x16xf32, #tpu.memory_space<vmem_shared>>
        tpu.enqueue_indirect_dma source(%arg9 : memref<128x16xf32, #tpu.memory_space<vmem>>) target(%dma_start3A_48 : memref<10112x16xf32, #tpu.memory_space<vmem_shared>>) offsets(%dma_start3A : memref<128xi32, #tpu.memory_space<vmem>>) semaphore(%run_scoped3A_45 : memref<!tpu.dma_semaphore, #tpu.memory_space<semaphore_mem>>) {add = true}
        %dma_wait3A = tpu.memref_slice %arg7[%mul3A_44] : memref<20000xi32, #tpu.memory_space<vmem>> -> memref<128xi32, #tpu.memory_space<vmem>>
        %dma_wait3A_49 = arith.constant 0 : i32
        %dma_wait3A_50 = arith.constant 0 : i32
        %dma_wait3A_51 = tpu.memref_slice %arg10[%dma_wait3A_49, %dma_wait3A_50] : memref<10112x16xf32, #tpu.memory_space<vmem_shared>> -> memref<10112x16xf32, #tpu.memory_space<vmem_shared>>
        tpu.wait_indirect_dma semaphore(%run_scoped3A_45 : memref<!tpu.dma_semaphore, #tpu.memory_space<semaphore_mem>>) src(%arg9 : memref<128x16xf32, #tpu.memory_space<vmem>>) dst(%dma_wait3A_51 : memref<10112x16xf32, #tpu.memory_space<vmem_shared>>)
        tpu.yield
      }) : () -> ()
    }
    %scan3A_14 = arith.constant 78 : i32
    %eq3A_15 = arith.constant 0 : i32
    %eq3A_16 = arith.cmpi eq, %arg0, %eq3A_15 : i32
    %convert_element_type3A_17 = arith.extui %eq3A_16 : i1 to i32
    %cond3A_18 = arith.constant 0 : i32
    %cond3A_19 = arith.cmpi ne, %convert_element_type3A_17, %cond3A_18 : i32
    scf.if %cond3A_19 {
      %add3A = arith.constant 19968 : i32
      %add3A_21 = arith.addi %mul3A_2, %add3A : i32
      "tpu.region"() ({
        %run_scoped3A_22 = tpu.sem_alloc : memref<!tpu.dma_semaphore, #tpu.memory_space<semaphore_mem>>
        %dma_start3A = arith.constant 0 : i32
        %dma_start3A_23 = arith.constant 0 : i32
        %dma_start3A_24 = tpu.memref_slice %arg8[%dma_start3A, %dma_start3A_23] : memref<128x16xf32, #tpu.memory_space<vmem>> -> memref<32x16xf32, #tpu.memory_space<vmem>>
        %dma_start3A_25 = arith.constant 0 : i32
        %dma_start3A_26 = tpu.memref_slice %arg3[%add3A_21, %dma_start3A_25] : memref<320000x16xf32, #tpu.memory_space<hbm>> -> memref<32x16xf32, #tpu.memory_space<hbm>>
        %dma_start3A_27 = arith.constant 0 : i32
        %dma_start3A_28 = arith.constant 0 : i32
        %dma_start3A_29 = tpu.memref_slice %arg8[%dma_start3A_27, %dma_start3A_28] : memref<128x16xf32, #tpu.memory_space<vmem>> -> memref<32x16xf32, #tpu.memory_space<vmem>>
        %dma_start3A_30 = arith.constant 0 : i32
        %dma_start3A_31 = tpu.memref_slice %arg3[%add3A_21, %dma_start3A_30] : memref<320000x16xf32, #tpu.memory_space<hbm>> -> memref<32x16xf32, #tpu.memory_space<hbm>>
        tpu.enqueue_dma source(%dma_start3A_31 : memref<32x16xf32, #tpu.memory_space<hbm>>) target(%dma_start3A_29 : memref<32x16xf32, #tpu.memory_space<vmem>>) target_semaphore(%run_scoped3A_22 : memref<!tpu.dma_semaphore, #tpu.memory_space<semaphore_mem>>)
        %dma_wait3A = arith.constant 0 : i32
        %dma_wait3A_32 = arith.constant 0 : i32
        %dma_wait3A_33 = tpu.memref_slice %arg8[%dma_wait3A, %dma_wait3A_32] : memref<128x16xf32, #tpu.memory_space<vmem>> -> memref<32x16xf32, #tpu.memory_space<vmem>>
        %dma_wait3A_34 = arith.constant 0 : i32
        %dma_wait3A_35 = tpu.memref_slice %arg3[%add3A_21, %dma_wait3A_34] : memref<320000x16xf32, #tpu.memory_space<hbm>> -> memref<32x16xf32, #tpu.memory_space<hbm>>
        %dma_wait3A_36 = arith.constant 0 : i32
        %dma_wait3A_37 = arith.constant 0 : i32
        %dma_wait3A_38 = tpu.memref_slice %arg8[%dma_wait3A_36, %dma_wait3A_37] : memref<128x16xf32, #tpu.memory_space<vmem>> -> memref<32x16xf32, #tpu.memory_space<vmem>>
        %dma_wait3A_39 = arith.constant 0 : i32
        %dma_wait3A_40 = tpu.memref_slice %arg3[%add3A_21, %dma_wait3A_39] : memref<320000x16xf32, #tpu.memory_space<hbm>> -> memref<32x16xf32, #tpu.memory_space<hbm>>
        tpu.wait_dma2 semaphore(%run_scoped3A_22 : memref<!tpu.dma_semaphore, #tpu.memory_space<semaphore_mem>>) src(%dma_wait3A_40 : memref<32x16xf32, #tpu.memory_space<hbm>>) dst(%dma_wait3A_38 : memref<32x16xf32, #tpu.memory_space<vmem>>)
        tpu.yield
      }) : () -> ()
    } else {
    }
    "tpu.region"() ({
      %run_scoped3A_21 = tpu.sem_alloc : memref<!tpu.dma_semaphore, #tpu.memory_space<semaphore_mem>>
      %dma_start3A = arith.constant 0 : i32
      %dma_start3A_22 = arith.constant 0 : i32
      %dma_start3A_23 = tpu.memref_slice %arg8[%dma_start3A, %dma_start3A_22] : memref<128x16xf32, #tpu.memory_space<vmem>> -> memref<32x16xf32, #tpu.memory_space<vmem>>
      %dma_start3A_24 = arith.constant 19968 : i32
      %dma_start3A_25 = tpu.memref_slice %arg7[%dma_start3A_24] : memref<20000xi32, #tpu.memory_space<vmem>> -> memref<32xi32, #tpu.memory_space<vmem>>
      %dma_start3A_26 = arith.constant 0 : i32
      %dma_start3A_27 = arith.constant 0 : i32
      %dma_start3A_28 = tpu.memref_slice %arg10[%dma_start3A_26, %dma_start3A_27] : memref<10112x16xf32, #tpu.memory_space<vmem_shared>> -> memref<10112x16xf32, #tpu.memory_space<vmem_shared>>
      tpu.enqueue_indirect_dma source(%dma_start3A_23 : memref<32x16xf32, #tpu.memory_space<vmem>>) target(%dma_start3A_28 : memref<10112x16xf32, #tpu.memory_space<vmem_shared>>) offsets(%dma_start3A_25 : memref<32xi32, #tpu.memory_space<vmem>>) semaphore(%run_scoped3A_21 : memref<!tpu.dma_semaphore, #tpu.memory_space<semaphore_mem>>) {add = true}
      %dma_wait3A = arith.constant 0 : i32
      %dma_wait3A_29 = arith.constant 0 : i32
      %dma_wait3A_30 = tpu.memref_slice %arg8[%dma_wait3A, %dma_wait3A_29] : memref<128x16xf32, #tpu.memory_space<vmem>> -> memref<32x16xf32, #tpu.memory_space<vmem>>
      %dma_wait3A_31 = arith.constant 19968 : i32
      %dma_wait3A_32 = tpu.memref_slice %arg7[%dma_wait3A_31] : memref<20000xi32, #tpu.memory_space<vmem>> -> memref<32xi32, #tpu.memory_space<vmem>>
      %dma_wait3A_33 = arith.constant 0 : i32
      %dma_wait3A_34 = arith.constant 0 : i32
      %dma_wait3A_35 = tpu.memref_slice %arg10[%dma_wait3A_33, %dma_wait3A_34] : memref<10112x16xf32, #tpu.memory_space<vmem_shared>> -> memref<10112x16xf32, #tpu.memory_space<vmem_shared>>
      tpu.wait_indirect_dma semaphore(%run_scoped3A_21 : memref<!tpu.dma_semaphore, #tpu.memory_space<semaphore_mem>>) src(%dma_wait3A_30 : memref<32x16xf32, #tpu.memory_space<vmem>>) dst(%dma_wait3A_35 : memref<10112x16xf32, #tpu.memory_space<vmem_shared>>)
      tpu.yield
    }) : () -> ()
    %barrier3A_20 = arith.constant 0 : index
    tpu.barrier barrier_id(%barrier3A_20)
    "tpu.region"() ({
      %run_scoped3A_21 = tpu.sem_alloc : memref<!tpu.dma_semaphore, #tpu.memory_space<semaphore_mem>>
      %dma_start3A = arith.constant 0 : i32
      %dma_start3A_22 = arith.constant 0 : i32
      %dma_start3A_23 = tpu.memref_slice %arg6[%arg0, %dma_start3A, %dma_start3A_22] : memref<2x10112x16xf32, #tpu.memory_space<hbm>> -> memref<1x10112x16xf32, #tpu.memory_space<hbm>>
      %dma_start3A_24 = tpu.memref_squeeze %dma_start3A_23 : memref<1x10112x16xf32, #tpu.memory_space<hbm>> -> memref<10112x16xf32, #tpu.memory_space<hbm>>
      %dma_start3A_25 = arith.constant 0 : i32
      %dma_start3A_26 = tpu.memref_slice %dma_start3A_24[%mul3A_0, %dma_start3A_25] : memref<10112x16xf32, #tpu.memory_space<hbm>> -> memref<632x16xf32, #tpu.memory_space<hbm>>
      %dma_start3A_27 = arith.constant 0 : i32
      %dma_start3A_28 = tpu.memref_slice %arg10[%mul3A_0, %dma_start3A_27] : memref<10112x16xf32, #tpu.memory_space<vmem_shared>> -> memref<632x16xf32, #tpu.memory_space<vmem_shared>>
      tpu.enqueue_dma source(%dma_start3A_28 : memref<632x16xf32, #tpu.memory_space<vmem_shared>>) target(%dma_start3A_26 : memref<632x16xf32, #tpu.memory_space<hbm>>) target_semaphore(%run_scoped3A_21 : memref<!tpu.dma_semaphore, #tpu.memory_space<semaphore_mem>>)
      %dma_wait3A = arith.constant 0 : i32
      %dma_wait3A_29 = arith.constant 0 : i32
      %dma_wait3A_30 = tpu.memref_slice %arg6[%arg0, %dma_wait3A, %dma_wait3A_29] : memref<2x10112x16xf32, #tpu.memory_space<hbm>> -> memref<1x10112x16xf32, #tpu.memory_space<hbm>>
      %dma_wait3A_31 = tpu.memref_squeeze %dma_wait3A_30 : memref<1x10112x16xf32, #tpu.memory_space<hbm>> -> memref<10112x16xf32, #tpu.memory_space<hbm>>
      %dma_wait3A_32 = arith.constant 0 : i32
      %dma_wait3A_33 = tpu.memref_slice %dma_wait3A_31[%mul3A_0, %dma_wait3A_32] : memref<10112x16xf32, #tpu.memory_space<hbm>> -> memref<632x16xf32, #tpu.memory_space<hbm>>
      %dma_wait3A_34 = arith.constant 0 : i32
      %dma_wait3A_35 = tpu.memref_slice %arg10[%mul3A_0, %dma_wait3A_34] : memref<10112x16xf32, #tpu.memory_space<vmem_shared>> -> memref<632x16xf32, #tpu.memory_space<vmem_shared>>
      tpu.wait_dma2 semaphore(%run_scoped3A_21 : memref<!tpu.dma_semaphore, #tpu.memory_space<semaphore_mem>>) src(%dma_wait3A_35 : memref<632x16xf32, #tpu.memory_space<vmem_shared>>) dst(%dma_wait3A_33 : memref<632x16xf32, #tpu.memory_space<hbm>>)
      tpu.yield
    }) : () -> ()
    return
  }
}

#map = affine_map<(d0, d1) -> (0, 0)>
#map1 = affine_map<(d0, d1) -> (0, 0, 0)>
module attributes {stable_mosaic.version = 14 : i64} {
  func.func @sc_hagg(%arg0: i32, %arg1: i32, %arg2: memref<2x320000xi32, #tpu.memory_space<hbm>>, %arg3: memref<20000x64xf32, #tpu.memory_space<hbm>>, %arg4: memref<632x64xf32, #tpu.memory_space<hbm>>, %arg5: memref<2x10112x64xf32, #tpu.memory_space<hbm>>, %arg6: memref<20000xi32, #tpu.memory_space<vmem>>, %arg7: memref<20000xi32, #tpu.memory_space<vmem>>, %arg8: memref<128x64xf32, #tpu.memory_space<vmem>>, %arg9: memref<128x64xf32, #tpu.memory_space<vmem>>, %arg10: memref<10112x64xf32, #tpu.memory_space<vmem_shared>>, %arg11: memref<!tpu.dma_semaphore, #tpu.memory_space<semaphore_mem>>, %arg12: memref<!tpu.dma_semaphore, #tpu.memory_space<semaphore_mem>>) attributes {dimension_semantics = [#tpu.dimension_semantics<core_parallel>, #tpu.dimension_semantics<subcore_parallel>], iteration_bounds = array<i64: 2, 16>, scalar_prefetch = 0 : i64, scratch_operands = 7 : i64, tpu.core_type = #tpu.core_type<sc_vector_subcore>, window_params = [{transform_indices = #map}, {transform_indices = #map}, {transform_indices = #map}, {transform_indices = #map1}]} {
    %mul3A = arith.constant 632 : i32
    %mul3A_0 = arith.muli %arg1, %mul3A : i32
    %mul3A_1 = arith.constant 20000 : i32
    %mul3A_2 = arith.muli %arg1, %mul3A_1 : i32
    "tpu.region"() ({
      %run_scoped3A_39 = tpu.sem_alloc : memref<!tpu.dma_semaphore, #tpu.memory_space<semaphore_mem>>
      %dma_start3A_40 = arith.constant 0 : i32
      %dma_start3A_41 = tpu.memref_slice %arg10[%mul3A_0, %dma_start3A_40] : memref<10112x64xf32, #tpu.memory_space<vmem_shared>> -> memref<632x64xf32, #tpu.memory_space<vmem_shared>>
      tpu.enqueue_dma source(%arg4 : memref<632x64xf32, #tpu.memory_space<hbm>>) target(%dma_start3A_41 : memref<632x64xf32, #tpu.memory_space<vmem_shared>>) target_semaphore(%run_scoped3A_39 : memref<!tpu.dma_semaphore, #tpu.memory_space<semaphore_mem>>)
      %dma_wait3A_42 = arith.constant 0 : i32
      %dma_wait3A_43 = tpu.memref_slice %arg10[%mul3A_0, %dma_wait3A_42] : memref<10112x64xf32, #tpu.memory_space<vmem_shared>> -> memref<632x64xf32, #tpu.memory_space<vmem_shared>>
      tpu.wait_dma2 semaphore(%run_scoped3A_39 : memref<!tpu.dma_semaphore, #tpu.memory_space<semaphore_mem>>) src(%arg4 : memref<632x64xf32, #tpu.memory_space<hbm>>) dst(%dma_wait3A_43 : memref<632x64xf32, #tpu.memory_space<vmem_shared>>)
      tpu.yield
    }) : () -> ()
    %run_scoped3A = arith.constant 1 : i32
    "tpu.region"() ({
      %run_scoped3A_39 = tpu.sem_alloc : memref<!tpu.dma_semaphore, #tpu.memory_space<semaphore_mem>>
      %dma_start3A_40 = arith.constant 0 : i32
      %dma_start3A_41 = tpu.memref_slice %arg2[%run_scoped3A, %dma_start3A_40] : memref<2x320000xi32, #tpu.memory_space<hbm>> -> memref<1x320000xi32, #tpu.memory_space<hbm>>
      %dma_start3A_42 = tpu.memref_squeeze %dma_start3A_41 : memref<1x320000xi32, #tpu.memory_space<hbm>> -> memref<320000xi32, #tpu.memory_space<hbm>>
      %dma_start3A_43 = tpu.memref_slice %dma_start3A_42[%mul3A_2] : memref<320000xi32, #tpu.memory_space<hbm>> -> memref<20000xi32, #tpu.memory_space<hbm>>
      %dma_start3A_44 = arith.constant 0 : i32
      %dma_start3A_45 = tpu.memref_slice %arg2[%run_scoped3A, %dma_start3A_44] : memref<2x320000xi32, #tpu.memory_space<hbm>> -> memref<1x320000xi32, #tpu.memory_space<hbm>>
      %dma_start3A_46 = tpu.memref_squeeze %dma_start3A_45 : memref<1x320000xi32, #tpu.memory_space<hbm>> -> memref<320000xi32, #tpu.memory_space<hbm>>
      %dma_start3A_47 = tpu.memref_slice %dma_start3A_46[%mul3A_2] : memref<320000xi32, #tpu.memory_space<hbm>> -> memref<20000xi32, #tpu.memory_space<hbm>>
      tpu.enqueue_dma source(%dma_start3A_47 : memref<20000xi32, #tpu.memory_space<hbm>>) target(%arg6 : memref<20000xi32, #tpu.memory_space<vmem>>) target_semaphore(%run_scoped3A_39 : memref<!tpu.dma_semaphore, #tpu.memory_space<semaphore_mem>>)
      %dma_wait3A_48 = arith.constant 0 : i32
      %dma_wait3A_49 = tpu.memref_slice %arg2[%run_scoped3A, %dma_wait3A_48] : memref<2x320000xi32, #tpu.memory_space<hbm>> -> memref<1x320000xi32, #tpu.memory_space<hbm>>
      %dma_wait3A_50 = tpu.memref_squeeze %dma_wait3A_49 : memref<1x320000xi32, #tpu.memory_space<hbm>> -> memref<320000xi32, #tpu.memory_space<hbm>>
      %dma_wait3A_51 = tpu.memref_slice %dma_wait3A_50[%mul3A_2] : memref<320000xi32, #tpu.memory_space<hbm>> -> memref<20000xi32, #tpu.memory_space<hbm>>
      %dma_wait3A_52 = arith.constant 0 : i32
      %dma_wait3A_53 = tpu.memref_slice %arg2[%run_scoped3A, %dma_wait3A_52] : memref<2x320000xi32, #tpu.memory_space<hbm>> -> memref<1x320000xi32, #tpu.memory_space<hbm>>
      %dma_wait3A_54 = tpu.memref_squeeze %dma_wait3A_53 : memref<1x320000xi32, #tpu.memory_space<hbm>> -> memref<320000xi32, #tpu.memory_space<hbm>>
      %dma_wait3A_55 = tpu.memref_slice %dma_wait3A_54[%mul3A_2] : memref<320000xi32, #tpu.memory_space<hbm>> -> memref<20000xi32, #tpu.memory_space<hbm>>
      tpu.wait_dma2 semaphore(%run_scoped3A_39 : memref<!tpu.dma_semaphore, #tpu.memory_space<semaphore_mem>>) src(%dma_wait3A_55 : memref<20000xi32, #tpu.memory_space<hbm>>) dst(%arg6 : memref<20000xi32, #tpu.memory_space<vmem>>)
      tpu.yield
    }) : () -> ()
    %run_scoped3A_3 = arith.constant 0 : i32
    "tpu.region"() ({
      %run_scoped3A_39 = tpu.sem_alloc : memref<!tpu.dma_semaphore, #tpu.memory_space<semaphore_mem>>
      %dma_start3A_40 = arith.constant 0 : i32
      %dma_start3A_41 = tpu.memref_slice %arg2[%run_scoped3A_3, %dma_start3A_40] : memref<2x320000xi32, #tpu.memory_space<hbm>> -> memref<1x320000xi32, #tpu.memory_space<hbm>>
      %dma_start3A_42 = tpu.memref_squeeze %dma_start3A_41 : memref<1x320000xi32, #tpu.memory_space<hbm>> -> memref<320000xi32, #tpu.memory_space<hbm>>
      %dma_start3A_43 = tpu.memref_slice %dma_start3A_42[%mul3A_2] : memref<320000xi32, #tpu.memory_space<hbm>> -> memref<20000xi32, #tpu.memory_space<hbm>>
      %dma_start3A_44 = arith.constant 0 : i32
      %dma_start3A_45 = tpu.memref_slice %arg2[%run_scoped3A_3, %dma_start3A_44] : memref<2x320000xi32, #tpu.memory_space<hbm>> -> memref<1x320000xi32, #tpu.memory_space<hbm>>
      %dma_start3A_46 = tpu.memref_squeeze %dma_start3A_45 : memref<1x320000xi32, #tpu.memory_space<hbm>> -> memref<320000xi32, #tpu.memory_space<hbm>>
      %dma_start3A_47 = tpu.memref_slice %dma_start3A_46[%mul3A_2] : memref<320000xi32, #tpu.memory_space<hbm>> -> memref<20000xi32, #tpu.memory_space<hbm>>
      tpu.enqueue_dma source(%dma_start3A_47 : memref<20000xi32, #tpu.memory_space<hbm>>) target(%arg7 : memref<20000xi32, #tpu.memory_space<vmem>>) target_semaphore(%run_scoped3A_39 : memref<!tpu.dma_semaphore, #tpu.memory_space<semaphore_mem>>)
      %dma_wait3A_48 = arith.constant 0 : i32
      %dma_wait3A_49 = tpu.memref_slice %arg2[%run_scoped3A_3, %dma_wait3A_48] : memref<2x320000xi32, #tpu.memory_space<hbm>> -> memref<1x320000xi32, #tpu.memory_space<hbm>>
      %dma_wait3A_50 = tpu.memref_squeeze %dma_wait3A_49 : memref<1x320000xi32, #tpu.memory_space<hbm>> -> memref<320000xi32, #tpu.memory_space<hbm>>
      %dma_wait3A_51 = tpu.memref_slice %dma_wait3A_50[%mul3A_2] : memref<320000xi32, #tpu.memory_space<hbm>> -> memref<20000xi32, #tpu.memory_space<hbm>>
      %dma_wait3A_52 = arith.constant 0 : i32
      %dma_wait3A_53 = tpu.memref_slice %arg2[%run_scoped3A_3, %dma_wait3A_52] : memref<2x320000xi32, #tpu.memory_space<hbm>> -> memref<1x320000xi32, #tpu.memory_space<hbm>>
      %dma_wait3A_54 = tpu.memref_squeeze %dma_wait3A_53 : memref<1x320000xi32, #tpu.memory_space<hbm>> -> memref<320000xi32, #tpu.memory_space<hbm>>
      %dma_wait3A_55 = tpu.memref_slice %dma_wait3A_54[%mul3A_2] : memref<320000xi32, #tpu.memory_space<hbm>> -> memref<20000xi32, #tpu.memory_space<hbm>>
      tpu.wait_dma2 semaphore(%run_scoped3A_39 : memref<!tpu.dma_semaphore, #tpu.memory_space<semaphore_mem>>) src(%dma_wait3A_55 : memref<20000xi32, #tpu.memory_space<hbm>>) dst(%arg7 : memref<20000xi32, #tpu.memory_space<vmem>>)
      tpu.yield
    }) : () -> ()
    %scan3A = arith.constant 0 : i32
    %scan3A_4 = arith.constant 0 : i32
    %scan3A_5 = arith.constant 1250 : i32
    %scan3A_6 = arith.addi %scan3A_4, %scan3A_5 : i32
    %scan3A_7 = arith.constant 1 : i32
    scf.for %scan3A_39 = %scan3A_4 to %scan3A_6 step %scan3A_7  : i32 {
      %mul3A_40 = arith.constant 16 : i32
      %mul3A_41 = arith.muli %scan3A_39, %mul3A_40 : i32
      %get3A = arith.index_cast %mul3A_41 : i32 to index
      %get3A_42 = tpu.vector_load %arg6[%get3A] {strides = array<i32>} : memref<20000xi32, #tpu.memory_space<vmem>>, vector<16xi32>,
      %get3A_43 = vector.shape_cast %get3A_42 : vector<16xi32> to vector<16xi32>
      %mul3A_44 = arith.constant 2 : i32
      %mul3A_45 = vector.broadcast %mul3A_44 : i32 to vector<16xi32>
      %mul3A_46 = arith.muli %get3A_43, %mul3A_45 : vector<16xi32>
      %add3A = vector.broadcast %arg0 : i32 to vector<16xi32>
      %add3A_47 = arith.addi %mul3A_46, %add3A : vector<16xi32>
      %swap3A = arith.index_cast %mul3A_41 : i32 to index
      %swap3A_48 = tpu.vector_load %arg6[%swap3A] {strides = array<i32>} : memref<20000xi32, #tpu.memory_space<vmem>>, vector<16xi32>,
      %swap3A_49 = vector.shape_cast %swap3A_48 : vector<16xi32> to vector<16xi32>
      %swap3A_50 = vector.shape_cast %add3A_47 : vector<16xi32> to vector<16xi32>
      tpu.vector_store %arg6[%swap3A], %swap3A_50 {strides = array<i32>} : memref<20000xi32, #tpu.memory_space<vmem>>, vector<16xi32>,
    }
    %scan3A_8 = arith.constant 1250 : i32
    %barrier3A = arith.constant 0 : index
    tpu.barrier barrier_id(%barrier3A)
    %dma_start3A = arith.constant 0 : i32
    %dma_start3A_9 = tpu.memref_slice %arg6[%dma_start3A] : memref<20000xi32, #tpu.memory_space<vmem>> -> memref<128xi32, #tpu.memory_space<vmem>>
    %dma_start3A_10 = arith.constant 0 : i32
    %dma_start3A_11 = arith.constant 0 : i32
    %dma_start3A_12 = tpu.memref_slice %arg3[%dma_start3A_10, %dma_start3A_11] : memref<20000x64xf32, #tpu.memory_space<hbm>> -> memref<20000x64xf32, #tpu.memory_space<hbm>>
    tpu.enqueue_indirect_dma source(%dma_start3A_12 : memref<20000x64xf32, #tpu.memory_space<hbm>>) target(%arg8 : memref<128x64xf32, #tpu.memory_space<vmem>>) offsets(%dma_start3A_9 : memref<128xi32, #tpu.memory_space<vmem>>) semaphore(%arg11 : memref<!tpu.dma_semaphore, #tpu.memory_space<semaphore_mem>>)
    %scan3A_13 = arith.constant 0 : i32
    %scan3A_14 = arith.constant 0 : i32
    %scan3A_15 = arith.constant 78 : i32
    %scan3A_16 = arith.addi %scan3A_14, %scan3A_15 : i32
    %scan3A_17 = arith.constant 1 : i32
    scf.for %scan3A_39 = %scan3A_14 to %scan3A_16 step %scan3A_17  : i32 {
      %mul3A_40 = arith.constant 2 : i32
      %mul3A_41 = arith.muli %mul3A_40, %scan3A_39 : i32
      %add3A = arith.constant 1 : i32
      %add3A_42 = arith.addi %mul3A_41, %add3A : i32
      %mul3A_43 = arith.constant 128 : i32
      %mul3A_44 = arith.muli %add3A_42, %mul3A_43 : i32
      %dma_start3A_45 = tpu.memref_slice %arg6[%mul3A_44] : memref<20000xi32, #tpu.memory_space<vmem>> -> memref<128xi32, #tpu.memory_space<vmem>>
      %dma_start3A_46 = arith.constant 0 : i32
      %dma_start3A_47 = arith.constant 0 : i32
      %dma_start3A_48 = tpu.memref_slice %arg3[%dma_start3A_46, %dma_start3A_47] : memref<20000x64xf32, #tpu.memory_space<hbm>> -> memref<20000x64xf32, #tpu.memory_space<hbm>>
      tpu.enqueue_indirect_dma source(%dma_start3A_48 : memref<20000x64xf32, #tpu.memory_space<hbm>>) target(%arg9 : memref<128x64xf32, #tpu.memory_space<vmem>>) offsets(%dma_start3A_45 : memref<128xi32, #tpu.memory_space<vmem>>) semaphore(%arg12 : memref<!tpu.dma_semaphore, #tpu.memory_space<semaphore_mem>>)
      %dma_wait3A_49 = arith.constant 0 : i32
      %dma_wait3A_50 = arith.constant 0 : i32
      %dma_wait3A_51 = tpu.memref_slice %arg4[%dma_wait3A_49, %dma_wait3A_50] : memref<632x64xf32, #tpu.memory_space<hbm>> -> memref<128x64xf32, #tpu.memory_space<hbm>>
      %dma_wait3A_52 = arith.constant 0 : i32
      %dma_wait3A_53 = arith.constant 0 : i32
      %dma_wait3A_54 = tpu.memref_slice %arg4[%dma_wait3A_52, %dma_wait3A_53] : memref<632x64xf32, #tpu.memory_space<hbm>> -> memref<128x64xf32, #tpu.memory_space<hbm>>
      tpu.wait_dma2 semaphore(%arg11 : memref<!tpu.dma_semaphore, #tpu.memory_space<semaphore_mem>>) src(%dma_wait3A_54 : memref<128x64xf32, #tpu.memory_space<hbm>>) dst(%arg8 : memref<128x64xf32, #tpu.memory_space<vmem>>)
      %mul3A_55 = arith.constant 128 : i32
      %mul3A_56 = arith.muli %mul3A_41, %mul3A_55 : i32
      "tpu.region"() ({
        %run_scoped3A_67 = tpu.sem_alloc : memref<!tpu.dma_semaphore, #tpu.memory_space<semaphore_mem>>
        %dma_start3A_68 = tpu.memref_slice %arg7[%mul3A_56] : memref<20000xi32, #tpu.memory_space<vmem>> -> memref<128xi32, #tpu.memory_space<vmem>>
        %dma_start3A_69 = arith.constant 0 : i32
        %dma_start3A_70 = arith.constant 0 : i32
        %dma_start3A_71 = tpu.memref_slice %arg10[%dma_start3A_69, %dma_start3A_70] : memref<10112x64xf32, #tpu.memory_space<vmem_shared>> -> memref<10112x64xf32, #tpu.memory_space<vmem_shared>>
        tpu.enqueue_indirect_dma source(%arg8 : memref<128x64xf32, #tpu.memory_space<vmem>>) target(%dma_start3A_71 : memref<10112x64xf32, #tpu.memory_space<vmem_shared>>) offsets(%dma_start3A_68 : memref<128xi32, #tpu.memory_space<vmem>>) semaphore(%run_scoped3A_67 : memref<!tpu.dma_semaphore, #tpu.memory_space<semaphore_mem>>) {add = true}
        %dma_wait3A_72 = tpu.memref_slice %arg7[%mul3A_56] : memref<20000xi32, #tpu.memory_space<vmem>> -> memref<128xi32, #tpu.memory_space<vmem>>
        %dma_wait3A_73 = arith.constant 0 : i32
        %dma_wait3A_74 = arith.constant 0 : i32
        %dma_wait3A_75 = tpu.memref_slice %arg10[%dma_wait3A_73, %dma_wait3A_74] : memref<10112x64xf32, #tpu.memory_space<vmem_shared>> -> memref<10112x64xf32, #tpu.memory_space<vmem_shared>>
        tpu.wait_indirect_dma semaphore(%run_scoped3A_67 : memref<!tpu.dma_semaphore, #tpu.memory_space<semaphore_mem>>) src(%arg8 : memref<128x64xf32, #tpu.memory_space<vmem>>) dst(%dma_wait3A_75 : memref<10112x64xf32, #tpu.memory_space<vmem_shared>>)
        tpu.yield
      }) : () -> ()
      %lt3A = arith.constant 77 : i32
      %lt3A_57 = arith.cmpi slt, %scan3A_39, %lt3A : i32
      %convert_element_type3A = arith.extui %lt3A_57 : i1 to i32
      %cond3A = arith.constant 0 : i32
      %cond3A_58 = arith.cmpi ne, %convert_element_type3A, %cond3A : i32
      scf.if %cond3A_58 {
        %add3A_67 = arith.constant 2 : i32
        %add3A_68 = arith.addi %mul3A_41, %add3A_67 : i32
        %mul3A_69 = arith.constant 128 : i32
        %mul3A_70 = arith.muli %add3A_68, %mul3A_69 : i32
        %dma_start3A_71 = tpu.memref_slice %arg6[%mul3A_70] : memref<20000xi32, #tpu.memory_space<vmem>> -> memref<128xi32, #tpu.memory_space<vmem>>
        %dma_start3A_72 = arith.constant 0 : i32
        %dma_start3A_73 = arith.constant 0 : i32
        %dma_start3A_74 = tpu.memref_slice %arg3[%dma_start3A_72, %dma_start3A_73] : memref<20000x64xf32, #tpu.memory_space<hbm>> -> memref<20000x64xf32, #tpu.memory_space<hbm>>
        tpu.enqueue_indirect_dma source(%dma_start3A_74 : memref<20000x64xf32, #tpu.memory_space<hbm>>) target(%arg8 : memref<128x64xf32, #tpu.memory_space<vmem>>) offsets(%dma_start3A_71 : memref<128xi32, #tpu.memory_space<vmem>>) semaphore(%arg11 : memref<!tpu.dma_semaphore, #tpu.memory_space<semaphore_mem>>)
      } else {
      }
      %dma_wait3A_59 = arith.constant 0 : i32
      %dma_wait3A_60 = arith.constant 0 : i32
      %dma_wait3A_61 = tpu.memref_slice %arg4[%dma_wait3A_59, %dma_wait3A_60] : memref<632x64xf32, #tpu.memory_space<hbm>> -> memref<128x64xf32, #tpu.memory_space<hbm>>
      %dma_wait3A_62 = arith.constant 0 : i32
      %dma_wait3A_63 = arith.constant 0 : i32
      %dma_wait3A_64 = tpu.memref_slice %arg4[%dma_wait3A_62, %dma_wait3A_63] : memref<632x64xf32, #tpu.memory_space<hbm>> -> memref<128x64xf32, #tpu.memory_space<hbm>>
      tpu.wait_dma2 semaphore(%arg12 : memref<!tpu.dma_semaphore, #tpu.memory_space<semaphore_mem>>) src(%dma_wait3A_64 : memref<128x64xf32, #tpu.memory_space<hbm>>) dst(%arg9 : memref<128x64xf32, #tpu.memory_space<vmem>>)
      %mul3A_65 = arith.constant 128 : i32
      %mul3A_66 = arith.muli %add3A_42, %mul3A_65 : i32
      "tpu.region"() ({
        %run_scoped3A_67 = tpu.sem_alloc : memref<!tpu.dma_semaphore, #tpu.memory_space<semaphore_mem>>
        %dma_start3A_68 = tpu.memref_slice %arg7[%mul3A_66] : memref<20000xi32, #tpu.memory_space<vmem>> -> memref<128xi32, #tpu.memory_space<vmem>>
        %dma_start3A_69 = arith.constant 0 : i32
        %dma_start3A_70 = arith.constant 0 : i32
        %dma_start3A_71 = tpu.memref_slice %arg10[%dma_start3A_69, %dma_start3A_70] : memref<10112x64xf32, #tpu.memory_space<vmem_shared>> -> memref<10112x64xf32, #tpu.memory_space<vmem_shared>>
        tpu.enqueue_indirect_dma source(%arg9 : memref<128x64xf32, #tpu.memory_space<vmem>>) target(%dma_start3A_71 : memref<10112x64xf32, #tpu.memory_space<vmem_shared>>) offsets(%dma_start3A_68 : memref<128xi32, #tpu.memory_space<vmem>>) semaphore(%run_scoped3A_67 : memref<!tpu.dma_semaphore, #tpu.memory_space<semaphore_mem>>) {add = true}
        %dma_wait3A_72 = tpu.memref_slice %arg7[%mul3A_66] : memref<20000xi32, #tpu.memory_space<vmem>> -> memref<128xi32, #tpu.memory_space<vmem>>
        %dma_wait3A_73 = arith.constant 0 : i32
        %dma_wait3A_74 = arith.constant 0 : i32
        %dma_wait3A_75 = tpu.memref_slice %arg10[%dma_wait3A_73, %dma_wait3A_74] : memref<10112x64xf32, #tpu.memory_space<vmem_shared>> -> memref<10112x64xf32, #tpu.memory_space<vmem_shared>>
        tpu.wait_indirect_dma semaphore(%run_scoped3A_67 : memref<!tpu.dma_semaphore, #tpu.memory_space<semaphore_mem>>) src(%arg9 : memref<128x64xf32, #tpu.memory_space<vmem>>) dst(%dma_wait3A_75 : memref<10112x64xf32, #tpu.memory_space<vmem_shared>>)
        tpu.yield
      }) : () -> ()
    }
    %scan3A_18 = arith.constant 78 : i32
    %dma_start3A_19 = arith.constant 0 : i32
    %dma_start3A_20 = arith.constant 0 : i32
    %dma_start3A_21 = tpu.memref_slice %arg8[%dma_start3A_19, %dma_start3A_20] : memref<128x64xf32, #tpu.memory_space<vmem>> -> memref<32x64xf32, #tpu.memory_space<vmem>>
    %dma_start3A_22 = arith.constant 19968 : i32
    %dma_start3A_23 = tpu.memref_slice %arg6[%dma_start3A_22] : memref<20000xi32, #tpu.memory_space<vmem>> -> memref<32xi32, #tpu.memory_space<vmem>>
    %dma_start3A_24 = arith.constant 0 : i32
    %dma_start3A_25 = arith.constant 0 : i32
    %dma_start3A_26 = tpu.memref_slice %arg3[%dma_start3A_24, %dma_start3A_25] : memref<20000x64xf32, #tpu.memory_space<hbm>> -> memref<20000x64xf32, #tpu.memory_space<hbm>>
    tpu.enqueue_indirect_dma source(%dma_start3A_26 : memref<20000x64xf32, #tpu.memory_space<hbm>>) target(%dma_start3A_21 : memref<32x64xf32, #tpu.memory_space<vmem>>) offsets(%dma_start3A_23 : memref<32xi32, #tpu.memory_space<vmem>>) semaphore(%arg11 : memref<!tpu.dma_semaphore, #tpu.memory_space<semaphore_mem>>)
    %dma_wait3A = arith.constant 0 : i32
    %dma_wait3A_27 = arith.constant 0 : i32
    %dma_wait3A_28 = tpu.memref_slice %arg8[%dma_wait3A, %dma_wait3A_27] : memref<128x64xf32, #tpu.memory_space<vmem>> -> memref<32x64xf32, #tpu.memory_space<vmem>>
    %dma_wait3A_29 = arith.constant 0 : i32
    %dma_wait3A_30 = arith.constant 0 : i32
    %dma_wait3A_31 = tpu.memref_slice %arg4[%dma_wait3A_29, %dma_wait3A_30] : memref<632x64xf32, #tpu.memory_space<hbm>> -> memref<32x64xf32, #tpu.memory_space<hbm>>
    %dma_wait3A_32 = arith.constant 0 : i32
    %dma_wait3A_33 = arith.constant 0 : i32
    %dma_wait3A_34 = tpu.memref_slice %arg8[%dma_wait3A_32, %dma_wait3A_33] : memref<128x64xf32, #tpu.memory_space<vmem>> -> memref<32x64xf32, #tpu.memory_space<vmem>>
    %dma_wait3A_35 = arith.constant 0 : i32
    %dma_wait3A_36 = arith.constant 0 : i32
    %dma_wait3A_37 = tpu.memref_slice %arg4[%dma_wait3A_35, %dma_wait3A_36] : memref<632x64xf32, #tpu.memory_space<hbm>> -> memref<32x64xf32, #tpu.memory_space<hbm>>
    tpu.wait_dma2 semaphore(%arg11 : memref<!tpu.dma_semaphore, #tpu.memory_space<semaphore_mem>>) src(%dma_wait3A_37 : memref<32x64xf32, #tpu.memory_space<hbm>>) dst(%dma_wait3A_34 : memref<32x64xf32, #tpu.memory_space<vmem>>)
    "tpu.region"() ({
      %run_scoped3A_39 = tpu.sem_alloc : memref<!tpu.dma_semaphore, #tpu.memory_space<semaphore_mem>>
      %dma_start3A_40 = arith.constant 0 : i32
      %dma_start3A_41 = arith.constant 0 : i32
      %dma_start3A_42 = tpu.memref_slice %arg8[%dma_start3A_40, %dma_start3A_41] : memref<128x64xf32, #tpu.memory_space<vmem>> -> memref<32x64xf32, #tpu.memory_space<vmem>>
      %dma_start3A_43 = arith.constant 19968 : i32
      %dma_start3A_44 = tpu.memref_slice %arg7[%dma_start3A_43] : memref<20000xi32, #tpu.memory_space<vmem>> -> memref<32xi32, #tpu.memory_space<vmem>>
      %dma_start3A_45 = arith.constant 0 : i32
      %dma_start3A_46 = arith.constant 0 : i32
      %dma_start3A_47 = tpu.memref_slice %arg10[%dma_start3A_45, %dma_start3A_46] : memref<10112x64xf32, #tpu.memory_space<vmem_shared>> -> memref<10112x64xf32, #tpu.memory_space<vmem_shared>>
      tpu.enqueue_indirect_dma source(%dma_start3A_42 : memref<32x64xf32, #tpu.memory_space<vmem>>) target(%dma_start3A_47 : memref<10112x64xf32, #tpu.memory_space<vmem_shared>>) offsets(%dma_start3A_44 : memref<32xi32, #tpu.memory_space<vmem>>) semaphore(%run_scoped3A_39 : memref<!tpu.dma_semaphore, #tpu.memory_space<semaphore_mem>>) {add = true}
      %dma_wait3A_48 = arith.constant 0 : i32
      %dma_wait3A_49 = arith.constant 0 : i32
      %dma_wait3A_50 = tpu.memref_slice %arg8[%dma_wait3A_48, %dma_wait3A_49] : memref<128x64xf32, #tpu.memory_space<vmem>> -> memref<32x64xf32, #tpu.memory_space<vmem>>
      %dma_wait3A_51 = arith.constant 19968 : i32
      %dma_wait3A_52 = tpu.memref_slice %arg7[%dma_wait3A_51] : memref<20000xi32, #tpu.memory_space<vmem>> -> memref<32xi32, #tpu.memory_space<vmem>>
      %dma_wait3A_53 = arith.constant 0 : i32
      %dma_wait3A_54 = arith.constant 0 : i32
      %dma_wait3A_55 = tpu.memref_slice %arg10[%dma_wait3A_53, %dma_wait3A_54] : memref<10112x64xf32, #tpu.memory_space<vmem_shared>> -> memref<10112x64xf32, #tpu.memory_space<vmem_shared>>
      tpu.wait_indirect_dma semaphore(%run_scoped3A_39 : memref<!tpu.dma_semaphore, #tpu.memory_space<semaphore_mem>>) src(%dma_wait3A_50 : memref<32x64xf32, #tpu.memory_space<vmem>>) dst(%dma_wait3A_55 : memref<10112x64xf32, #tpu.memory_space<vmem_shared>>)
      tpu.yield
    }) : () -> ()
    %barrier3A_38 = arith.constant 0 : index
    tpu.barrier barrier_id(%barrier3A_38)
    "tpu.region"() ({
      %run_scoped3A_39 = tpu.sem_alloc : memref<!tpu.dma_semaphore, #tpu.memory_space<semaphore_mem>>
      %dma_start3A_40 = arith.constant 0 : i32
      %dma_start3A_41 = arith.constant 0 : i32
      %dma_start3A_42 = tpu.memref_slice %arg5[%arg0, %dma_start3A_40, %dma_start3A_41] : memref<2x10112x64xf32, #tpu.memory_space<hbm>> -> memref<1x10112x64xf32, #tpu.memory_space<hbm>>
      %dma_start3A_43 = tpu.memref_squeeze %dma_start3A_42 : memref<1x10112x64xf32, #tpu.memory_space<hbm>> -> memref<10112x64xf32, #tpu.memory_space<hbm>>
      %dma_start3A_44 = arith.constant 0 : i32
      %dma_start3A_45 = tpu.memref_slice %dma_start3A_43[%mul3A_0, %dma_start3A_44] : memref<10112x64xf32, #tpu.memory_space<hbm>> -> memref<632x64xf32, #tpu.memory_space<hbm>>
      %dma_start3A_46 = arith.constant 0 : i32
      %dma_start3A_47 = tpu.memref_slice %arg10[%mul3A_0, %dma_start3A_46] : memref<10112x64xf32, #tpu.memory_space<vmem_shared>> -> memref<632x64xf32, #tpu.memory_space<vmem_shared>>
      tpu.enqueue_dma source(%dma_start3A_47 : memref<632x64xf32, #tpu.memory_space<vmem_shared>>) target(%dma_start3A_45 : memref<632x64xf32, #tpu.memory_space<hbm>>) target_semaphore(%run_scoped3A_39 : memref<!tpu.dma_semaphore, #tpu.memory_space<semaphore_mem>>)
      %dma_wait3A_48 = arith.constant 0 : i32
      %dma_wait3A_49 = arith.constant 0 : i32
      %dma_wait3A_50 = tpu.memref_slice %arg5[%arg0, %dma_wait3A_48, %dma_wait3A_49] : memref<2x10112x64xf32, #tpu.memory_space<hbm>> -> memref<1x10112x64xf32, #tpu.memory_space<hbm>>
      %dma_wait3A_51 = tpu.memref_squeeze %dma_wait3A_50 : memref<1x10112x64xf32, #tpu.memory_space<hbm>> -> memref<10112x64xf32, #tpu.memory_space<hbm>>
      %dma_wait3A_52 = arith.constant 0 : i32
      %dma_wait3A_53 = tpu.memref_slice %dma_wait3A_51[%mul3A_0, %dma_wait3A_52] : memref<10112x64xf32, #tpu.memory_space<hbm>> -> memref<632x64xf32, #tpu.memory_space<hbm>>
      %dma_wait3A_54 = arith.constant 0 : i32
      %dma_wait3A_55 = tpu.memref_slice %arg10[%mul3A_0, %dma_wait3A_54] : memref<10112x64xf32, #tpu.memory_space<vmem_shared>> -> memref<632x64xf32, #tpu.memory_space<vmem_shared>>
      tpu.wait_dma2 semaphore(%run_scoped3A_39 : memref<!tpu.dma_semaphore, #tpu.memory_space<semaphore_mem>>) src(%dma_wait3A_55 : memref<632x64xf32, #tpu.memory_space<vmem_shared>>) dst(%dma_wait3A_53 : memref<632x64xf32, #tpu.memory_space<hbm>>)
      tpu.yield
    }) : () -> ()
    return
  }
}

module attributes {stable_mosaic.version = 14 : i64} {
  func.func @body(%arg0: i32, %arg1: memref<400x128xf32, #tpu.memory_space<vmem>>, %arg2: memref<2x400x64xf32, #tpu.memory_space<vmem>>, %arg3: memref<2x400x16xf32, #tpu.memory_space<vmem>>, %arg4: memref<272x128xf32, #tpu.memory_space<vmem>>, %arg5: memref<8x16xf32, #tpu.memory_space<vmem>>, %arg6: memref<400x128xf32, #tpu.memory_space<vmem>>) attributes {dimension_semantics = [#tpu.dimension_semantics<arbitrary>], iteration_bounds = array<i64: 25>, scalar_prefetch = 0 : i64, scratch_operands = 0 : i64, tpu.core_type = #tpu.core_type<tc>, window_params = [{transform_indices = @transform_0, window_bounds = array<i64: 400, 128>}, {transform_indices = @transform_1, window_bounds = array<i64: 2, 400, 64>}, {transform_indices = @transform_2, window_bounds = array<i64: 2, 400, 16>}, {pipeline_mode = #tpu.pipeline_mode<synchronous>, transform_indices = @transform_3, window_bounds = array<i64: 272, 128>}, {pipeline_mode = #tpu.pipeline_mode<synchronous>, transform_indices = @transform_4, window_bounds = array<i64: 8, 16>}, {transform_indices = @transform_5, window_bounds = array<i64: 400, 128>}]} {
    %get3A = arith.constant 0 : index
    %get3A_0 = arith.constant 0 : index
    %get3A_1 = vector.load %arg1[%get3A, %get3A_0] : memref<400x128xf32, #tpu.memory_space<vmem>>, vector<400x128xf32>
    %get3A_2 = arith.constant 0 : index
    %get3A_3 = arith.constant 0 : index
    %get3A_4 = arith.constant 0 : index
    %get3A_5 = vector.load %arg2[%get3A_2, %get3A_3, %get3A_4] : memref<2x400x64xf32, #tpu.memory_space<vmem>>, vector<1x400x64xf32>
    %get3A_6 = vector.shape_cast %get3A_5 : vector<1x400x64xf32> to vector<400x64xf32>
    %get3A_7 = arith.constant 1 : index
    %get3A_8 = arith.constant 0 : index
    %get3A_9 = arith.constant 0 : index
    %get3A_10 = vector.load %arg2[%get3A_7, %get3A_8, %get3A_9] : memref<2x400x64xf32, #tpu.memory_space<vmem>>, vector<1x400x64xf32>
    %get3A_11 = vector.shape_cast %get3A_10 : vector<1x400x64xf32> to vector<400x64xf32>
    %get3A_12 = arith.constant 0 : index
    %get3A_13 = arith.constant 0 : index
    %get3A_14 = arith.constant 0 : index
    %get3A_15 = vector.load %arg3[%get3A_12, %get3A_13, %get3A_14] : memref<2x400x16xf32, #tpu.memory_space<vmem>>, vector<1x400x16xf32>
    %get3A_16 = vector.shape_cast %get3A_15 : vector<1x400x16xf32> to vector<400x16xf32>
    %get3A_17 = arith.constant 1 : index
    %get3A_18 = arith.constant 0 : index
    %get3A_19 = arith.constant 0 : index
    %get3A_20 = vector.load %arg3[%get3A_17, %get3A_18, %get3A_19] : memref<2x400x16xf32, #tpu.memory_space<vmem>>, vector<1x400x16xf32>
    %get3A_21 = vector.shape_cast %get3A_20 : vector<1x400x16xf32> to vector<400x16xf32>
    %slice3A = vector.extract_strided_slice %get3A_21 {offsets = [0, 0], sizes = [400, 1], strides = [1, 1]} : vector<400x16xf32> to vector<400x1xf32>
    %max3A = arith.constant 1.000000e+00 : f32
    %max3A_22 = vector.broadcast %max3A : f32 to vector<400x1xf32>
    %max3A_23 = arith.maximumf %slice3A, %max3A_22 : vector<400x1xf32>
    %div3A = arith.constant 1.000000e+00 : f32
    %div3A_24 = vector.broadcast %div3A : f32 to vector<400x1xf32>
    %div3A_25 = arith.divf %div3A_24, %max3A_23 : vector<400x1xf32>
    %eq3A = arith.constant 0.000000e+00 : f32
    %eq3A_26 = vector.broadcast %eq3A : f32 to vector<400x1xf32>
    %eq3A_27 = arith.cmpf oeq, %slice3A, %eq3A_26 : vector<400x1xf32>
    %get3A_28 = arith.constant 0 : index
    %get3A_29 = arith.constant 0 : index
    %get3A_30 = vector.load %arg4[%get3A_28, %get3A_29] : memref<272x128xf32, #tpu.memory_space<vmem>>, vector<128x128xf32>
    %get3A_31 = arith.constant 128 : index
    %get3A_32 = arith.constant 0 : index
    %get3A_33 = vector.load %arg4[%get3A_31, %get3A_32] : memref<272x128xf32, #tpu.memory_space<vmem>>, vector<128x128xf32>
    %get3A_34 = arith.constant 256 : index
    %get3A_35 = arith.constant 0 : index
    %get3A_36 = vector.load %arg4[%get3A_34, %get3A_35] : memref<272x128xf32, #tpu.memory_space<vmem>>, vector<16x128xf32>
    %dot_general3A = arith.constant dense<0.000000e+00> : vector<400x128xf32>
    %dot_general3A_37 = tpu.matmul %get3A_1, %get3A_30, %dot_general3A {dimension_numbers = #tpu.dot_dimension_numbers<[1], [0], [0], [1], [0, 0, 1, 1], [], []>, transpose_lhs_hint = false} : vector<400x128xf32>, vector<128x128xf32>, vector<400x128xf32> -> vector<400x128xf32>
    %slice3A_38 = vector.extract_strided_slice %get3A_33 {offsets = [0, 0], sizes = [64, 128], strides = [1, 1]} : vector<128x128xf32> to vector<64x128xf32>
    %dot_general3A_39 = arith.constant dense<0.000000e+00> : vector<400x128xf32>
    %dot_general3A_40 = tpu.matmul %get3A_6, %slice3A_38, %dot_general3A_39 {dimension_numbers = #tpu.dot_dimension_numbers<[1], [0], [0], [1], [0, 0, 1, 1], [], []>, transpose_lhs_hint = false} : vector<400x64xf32>, vector<64x128xf32>, vector<400x128xf32> -> vector<400x128xf32>
    %slice3A_41 = vector.extract_strided_slice %get3A_33 {offsets = [64, 0], sizes = [64, 128], strides = [1, 1]} : vector<128x128xf32> to vector<64x128xf32>
    %dot_general3A_42 = arith.constant dense<0.000000e+00> : vector<400x128xf32>
    %dot_general3A_43 = tpu.matmul %get3A_11, %slice3A_41, %dot_general3A_42 {dimension_numbers = #tpu.dot_dimension_numbers<[1], [0], [0], [1], [0, 0, 1, 1], [], []>, transpose_lhs_hint = false} : vector<400x64xf32>, vector<64x128xf32>, vector<400x128xf32> -> vector<400x128xf32>
    %add3A = arith.addf %dot_general3A_40, %dot_general3A_43 : vector<400x128xf32>
    %dot_general3A_44 = arith.constant dense<0.000000e+00> : vector<400x128xf32>
    %dot_general3A_45 = tpu.matmul %get3A_16, %get3A_36, %dot_general3A_44 {dimension_numbers = #tpu.dot_dimension_numbers<[1], [0], [0], [1], [0, 0, 1, 1], [], []>, transpose_lhs_hint = false} : vector<400x16xf32>, vector<16x128xf32>, vector<400x128xf32> -> vector<400x128xf32>
    %add3A_46 = arith.addf %add3A, %dot_general3A_45 : vector<400x128xf32>
    %mul3A = vector.broadcast %div3A_25 : vector<400x1xf32> to vector<400x128xf32>
    %mul3A_47 = arith.mulf %add3A_46, %mul3A : vector<400x128xf32>
    %dot_general3A_48 = arith.constant dense<0.000000e+00> : vector<400x128xf32>
    %dot_general3A_49 = tpu.matmul %get3A_1, %get3A_33, %dot_general3A_48 {dimension_numbers = #tpu.dot_dimension_numbers<[1], [0], [0], [1], [0, 0, 1, 1], [], []>, transpose_lhs_hint = false} : vector<400x128xf32>, vector<128x128xf32>, vector<400x128xf32> -> vector<400x128xf32>
    %get3A_50 = arith.constant 0 : index
    %get3A_51 = arith.constant 0 : index
    %get3A_52 = vector.load %arg5[%get3A_50, %get3A_51] : memref<8x16xf32, #tpu.memory_space<vmem>>, vector<1x16xf32>
    %dot_general3A_53 = arith.constant dense<0.000000e+00> : vector<1x128xf32>
    %dot_general3A_54 = tpu.matmul %get3A_52, %get3A_36, %dot_general3A_53 {dimension_numbers = #tpu.dot_dimension_numbers<[1], [0], [0], [1], [0, 0, 1, 1], [], []>, transpose_lhs_hint = false} : vector<1x16xf32>, vector<16x128xf32>, vector<1x128xf32> -> vector<1x128xf32>
    %add3A_55 = vector.broadcast %dot_general3A_54 : vector<1x128xf32> to vector<400x128xf32>
    %add3A_56 = arith.addf %dot_general3A_49, %add3A_55 : vector<400x128xf32>
    %broadcast_in_dim3A = vector.shape_cast %eq3A_27 : vector<400x1xi1> to vector<400x1xi1>
    %broadcast_in_dim3A_57 = vector.broadcast %broadcast_in_dim3A : vector<400x1xi1> to vector<400x128xi1>
    %select_n3A = arith.select %broadcast_in_dim3A_57, %add3A_56, %mul3A_47 : vector<400x128xi1>, vector<400x128xf32>
    %add3A_58 = arith.addf %dot_general3A_37, %select_n3A : vector<400x128xf32>
    %gt3A = arith.constant 0.000000e+00 : f32
    %gt3A_59 = vector.broadcast %gt3A : f32 to vector<400x128xf32>
    %gt3A_60 = arith.cmpf ogt, %add3A_58, %gt3A_59 : vector<400x128xf32>
    %exp3A = math.exp %add3A_58 : vector<400x128xf32>
    %sub3A = arith.constant 1.000000e+00 : f32
    %sub3A_61 = vector.broadcast %sub3A : f32 to vector<400x128xf32>
    %sub3A_62 = arith.subf %exp3A, %sub3A_61 : vector<400x128xf32>
    %select_n3A_63 = arith.select %gt3A_60, %add3A_58, %sub3A_62 : vector<400x128xi1>, vector<400x128xf32>
    %swap3A = arith.constant 0 : index
    %swap3A_64 = arith.constant 0 : index
    %swap3A_65 = vector.load %arg6[%swap3A, %swap3A_64] : memref<400x128xf32, #tpu.memory_space<vmem>>, vector<400x128xf32>
    tpu.vector_store %arg6[%swap3A, %swap3A_64], %select_n3A_63 {strides = array<i32>} : memref<400x128xf32, #tpu.memory_space<vmem>>, vector<400x128xf32>,
    return
  }
  func.func @transform_0(%arg0: i32) -> (i32, i32) {
    %c0_i32 = arith.constant 0 : i32
    %c0_i32_0 = arith.constant 0 : i32
    return %arg0, %c0_i32 : i32, i32
  }
  func.func @transform_1(%arg0: i32) -> (i32, i32, i32) {
    %c0_i32 = arith.constant 0 : i32
    %c0_i32_0 = arith.constant 0 : i32
    %c0_i32_1 = arith.constant 0 : i32
    return %c0_i32, %arg0, %c0_i32_0 : i32, i32, i32
  }
  func.func @transform_2(%arg0: i32) -> (i32, i32, i32) {
    %c0_i32 = arith.constant 0 : i32
    %c0_i32_0 = arith.constant 0 : i32
    %c0_i32_1 = arith.constant 0 : i32
    return %c0_i32, %arg0, %c0_i32_0 : i32, i32, i32
  }
  func.func @transform_3(%arg0: i32) -> (i32, i32) {
    %c0_i32 = arith.constant 0 : i32
    %c0_i32_0 = arith.constant 0 : i32
    %c0_i32_1 = arith.constant 0 : i32
    return %c0_i32, %c0_i32_0 : i32, i32
  }
  func.func @transform_4(%arg0: i32) -> (i32, i32) {
    %c0_i32 = arith.constant 0 : i32
    %c0_i32_0 = arith.constant 0 : i32
    %c0_i32_1 = arith.constant 0 : i32
    return %c0_i32, %c0_i32_0 : i32, i32
  }
  func.func @transform_5(%arg0: i32) -> (i32, i32) {
    %c0_i32 = arith.constant 0 : i32
    %c0_i32_0 = arith.constant 0 : i32
    return %arg0, %c0_i32 : i32, i32
  }
}

</mosaic_0001>

<sc_bundles>
// kernel: kernel.5.cloned.1.call-start
scs
__scs_entry_jumppad:
0x0: {  	(pc) =	sbr.rel $0x88, $3  }
0x1: {  	(tag) =	ssettag $0x0;
	lr =	simm.s32 $0x1  }
0x2: {  	[smem:$0x3F9D] =	sst lr;
	_ =	strace $0xD0000000  }
0x3: {  	_ = 	snop  }
0x4: {  	_ = 	snop  }
0x5: {  	_ = 	snop  }
0x6: {  	_ = 	snop  }
0x7: {  	_ = 	snop  }
__scs_overlays_trampoline_lowered:
0x8: {  	[smem:$0x3FAC] =	sst s0  }
0x9: {  	[smem:$0x3FAD] =	sst s1  }
0xa: {  	[smem:$0x3FAE] =	sst s2  }
0xb: {  	[smem:$0x3FAF] =	sst s3  }
0xc: {  	[smem:$0x3FB0] =	sst s4  }
0xd: {  	[smem:$0x3FB1] =	sst s5  }
0xe: {  	[smem:$0x3FB2] =	sst s6  }
0xf: {  	[smem:$0x3FB3] =	sst s7  }
0x10: {  	[smem:$0x3FB4] =	sst s8  }
0x11: {  	[smem:$0x3FB5] =	sst s9;
	s0 =	simm.s32 @!p0 $0x0  }
0x12: {  	s1 =	sld [smem:$0x3F9B];
	s0 =	simm.s32 @p0 $0x1  }
0x13: {  	[smem:$0x3FB6] =	sst s0;
	s0 =	simm.s32 @!p1 $0x0  }
0x14: {  	s2 =	sld [smem:$0x3F9A];
	s0 =	simm.s32 @p1 $0x1  }
0x15: {  	[smem:$0x3FB7] =	sst s0;
	s0 =	simm.s32 @!p2 $0x0  }
0x16: {  	s3 =	sld [smem:$0x3FDB];
	s0 =	simm.s32 @p2 $0x1  }
0x17: {  	s4 =	simm.s32 $0x1BF5;
	[smem:$0x3FB9] =	sst s0  }
0x18: {  	s0 =	sld [smem:$0x3F9C];
	_ =	swait.ge [sflag:s4], $0x0  }
0x19: {  	s7 =	sld [smem:$0x3F9D]  }
0x1a: {  	s8 =	sadd.s32 $0xFFFFE003, lr  }
0x1b: {  	s9 =	sadd.s32 $0xFFFFFEF7, lr;
	s5 =	simm.s32 $0xFFFFFFFF;
	p2 =	slt.u32 s8, $0xFFFFF086  }
0x1c: {  	p1 =	slt.u32 s9, $0xF7A;
	s5 =	simm.s32 @!p2 $0x0  }
0x1d: {  	s5 =	simm.s32 @p1 $0x1;
	p0 =	seq.s32 s7, s2  }
0x1e: {  	s7 =	smul.u32 @!p0 $0xF7A, s2;
	p2 =	seq.s32 @!p0 s5, $0x0  }
0x1f: {  	s9 =	smul.u32 $0xF7A, s1;
	s8 =	simm.s32 @!p0 $0x1BF5;
	p2 =	por !p2, p0  }
0x20: {  	[sflag:s8] =	ssyncset.s32 @!p0 $0xFFFFF086;
	s6 =	sadd.s32 @!p0 s3, s7;
	s7 =	simm.s32 @!p0 $0x108  }
0x21: {  	s3 =	sadd.s32 s3, s9;
	s6 =	sadd.s32 @!p0 $0x88, s6;
	s7 =	simm.s32 @p2 $0x1082  }
0x22: {  	[simem:s7], [sflag:s8] =	dma.local @!p0 [hbm:s6], $0xF7A  }
0x23: {  	s9 =	sor.u32 $0xD0000000, s2;
	s6 =	simm.s32 $0x108;
	_ =	swait.ge @!p0 [sflag:s8], $0x0  }
0x24: {  	s3 =	sadd.s32 $0x88, s3;
	s6 =	simm.s32 @!p1 $0x1082;
	[sflag:s4] =	ssyncset.s32 $0xFFFFF086  }
0x25: {  	[simem:s6], [sflag:s4] =	dma.local [hbm:s3], $0xF7A  }
0x26: {  	[smem:$0x3F9D] =	sst s1;
	(tag) =	ssettag s2;
	_ =	strace s9  }
0x27: {  	s1 =	sld [smem:$0x3FAD]  }
0x28: {  	s2 =	sld [smem:$0x3FAE]  }
0x29: {  	s4 =	sld [smem:$0x3FB0]  }
0x2a: {  	p0 =	seq.s32 s5, $0x0;
	s5 =	sld [smem:$0x3FB1]  }
0x2b: {  	s6 =	sld [smem:$0x3FB2]  }
0x2c: {  	s7 =	sld [smem:$0x3FB3]  }
0x2d: {  	s3 =	simm.s32 $0x108;
	s8 =	sld [smem:$0x3FB4]  }
0x2e: {  	s3 =	simm.s32 @!p0 $0x1082;
	s9 =	sld [smem:$0x3FB5]  }
0x2f: {  	lr =	sadd.s32 s0, s3;
	s0 =	sld [smem:$0x3FAC]  }
0x30: {  	s3 =	sld [smem:$0x3FAF]  }
0x31: {  	[smem:$0x3FB8] =	sst s10  }
0x32: {  	s10 =	sld [smem:$0x3FB6];
	_ =	sdelay $0x3  }
0x33: {  	p0 =	seq.s32 s10, $0x1;
	s10 =	sld [smem:$0x3FB8];
	_ =	sdelay $0x3  }
0x34: {  	[smem:$0x3FB8] =	sst s10  }
0x35: {  	s10 =	sld [smem:$0x3FB7];
	_ =	sdelay $0x3  }
0x36: {  	p1 =	seq.s32 s10, $0x1;
	s10 =	sld [smem:$0x3FB8];
	_ =	sdelay $0x3  }
0x37: {  	[smem:$0x3FB8] =	sst s10  }
0x38: {  	s10 =	sld [smem:$0x3FB9]  }
0x39: {  	_ = 	snop;
	(pc) =	sbr.ind lr, $3  }
0x3a: {  	_ = 	snop  }
0x3b: {  	_ = 	snop  }
0x3c: {  	p2 =	seq.s32 s10, $0x1;
	s10 =	sld [smem:$0x3FB8]  }
0x3d: {  	_ =	shalt  }
0x3e: {  	_ =	shalt  }
0x3f: {  	_ =	shalt  }
0x40: {  	_ =	shalt  }
0x41: {  	_ =	shalt  }
0x42: {  	_ =	shalt  }
0x43: {  	_ =	shalt  }
0x44: {  	_ =	shalt  }
0x45: {  	_ =	shalt  }
0x46: {  	_ =	shalt  }
0x47: {  	_ =	shalt  }
0x48: {  	_ =	shalt  }
0x49: {  	_ =	shalt  }
0x4a: {  	_ =	shalt  }
0x4b: {  	_ =	shalt  }
0x4c: {  	_ =	shalt  }
0x4d: {  	_ =	shalt  }
0x4e: {  	_ =	shalt  }
0x4f: {  	_ =	shalt  }
0x50: {  	_ =	shalt  }
0x51: {  	_ =	shalt  }
0x52: {  	_ =	shalt  }
0x53: {  	_ =	shalt  }
0x54: {  	_ =	shalt  }
0x55: {  	_ =	shalt  }
0x56: {  	_ =	shalt  }
0x57: {  	_ =	shalt  }
0x58: {  	_ =	shalt  }
0x59: {  	_ =	shalt  }
0x5a: {  	_ =	shalt  }
0x5b: {  	_ =	shalt  }
0x5c: {  	_ =	shalt  }
0x5d: {  	_ =	shalt  }
0x5e: {  	_ =	shalt  }
0x5f: {  	_ =	shalt  }
0x60: {  	_ =	shalt  }
0x61: {  	_ =	shalt  }
0x62: {  	_ =	shalt  }
0x63: {  	_ =	shalt  }
0x64: {  	_ =	shalt  }
0x65: {  	_ =	shalt  }
0x66: {  	_ =	shalt  }
0x67: {  	_ =	shalt  }
0x68: {  	_ =	shalt  }
0x69: {  	_ =	shalt  }
0x6a: {  	_ =	shalt  }
0x6b: {  	_ =	shalt  }
0x6c: {  	_ =	shalt  }
0x6d: {  	_ =	shalt  }
0x6e: {  	_ =	shalt  }
0x6f: {  	_ =	shalt  }
0x70: {  	_ =	shalt  }
0x71: {  	_ =	shalt  }
0x72: {  	_ =	shalt  }
0x73: {  	_ =	shalt  }
0x74: {  	_ =	shalt  }
0x75: {  	_ =	shalt  }
0x76: {  	_ =	shalt  }
0x77: {  	_ =	shalt  }
0x78: {  	_ =	shalt  }
0x79: {  	_ =	shalt  }
0x7a: {  	_ =	shalt  }
0x7b: {  	_ =	shalt  }
0x7c: {  	_ =	shalt  }
0x7d: {  	_ =	shalt  }
0x7e: {  	_ =	shalt  }
0x7f: {  	_ =	shalt  }
0x80: {  	_ =	shalt  }
0x81: {  	_ =	shalt  }
0x82: {  	_ =	shalt  }
0x83: {  	_ =	shalt  }
0x84: {  	_ =	shalt  }
0x85: {  	_ =	shalt  }
0x86: {  	_ =	shalt  }
0x87: {  	_ =	shalt  }
.Lfunc_end0:
.L_simem_size_0:
called_computation_lowered:
.L_overlay_start_0:
0x88: {  	s2 =	sld [smem:$0x3FD9]  }
0x89: {  	s3 =	sld [smem:$0x3FFE];
	_ =	sdelay $0x1  }
0x8a: {  	s1 =	srdreg.scid  }
0x8b: {  	s0 =	sand.u32 $0x1, s1  }
0x8c: {  	s17 =	sshll.u32 s0, $0xA;
	s2 =	sadd.s32 s3, s2  }
0x8d: {  	s2 =	sadd.s32 s2, s17  }
0x8e: {  	[smem:$0x3FC4] =	sst s2  }
0x8f: {  	_ = 	snop  }
0x90: {  	s2 =	sld [smem:$0x3FD0];
	(tm) =	ssettm $0x1  }
0x91: {  	s18 =	sld [smem:$0x3FFB];
	_ =	sdelay $0x3  }
0x92: {  	_ =	strace s18  }
0x93: {  	s3 =	sld [smem:$0x3FFC];
	_ =	sdelay $0x3  }
0x94: {  	_ =	strace s3  }
0x95: {  	s3 =	sld [smem:$0x3FFD];
	_ =	sdelay $0x3  }
0x96: {  	_ =	strace s3  }
0x97: {  	_ =	strace $0x8FFFFFFF  }
0x98: {  	s19 =	sld [smem:$0x3FDB];
	_ =	sdelay $0x1  }
0x99: {  	s4 =	simm.s32 $_scs_section_size  }
0x9a: {  	s5 =	simm.s32 $_size__tile_overlayer_lowered;
	s6 =	simm.s32 $_tile_overlayer_lowered  }
0x9b: {  	s22 =	simm.s32 $0x1BFF;
	s21 =	sshll.u32 s6, $0x1;
	s3 =	sadd.s32 s4, s19  }
0x9c: {  	s7 =	simm.s32 $0x0;
	s20 =	sshll.u32 s5, $0x1;
	s5 =	sadd.s32 s21, s3  }
0x9d: {  	[timem:s7], [sflag:s22] =	dma.local [hbm:s5], s20  }
0x9e: {  	_ =	swait.ge [sflag:s22], s20  }
0x9f: {  	s4 =	ssub.s32 $0x0, s20;
	[sflag:s22] =	ssyncset.done $0x0  }
0xa0: {  	[sflag:s22] =	ssyncadd.s32 s4;
	_ =	sdelay $0x1  }
0xa1: {  	s23 =	simm.s32 $0x1B8B  }
0xa2: {  	_ =	swait.ge [sflag:s23], $0x1  }
0xa3: {  	[sflag:s23] =	ssyncset.done $0x0  }
0xa4: {  	s25 =	simm.s32 $0x1B8E;
	s24 =	sld [smem:$0x3FFE];
	[sflag:s23] =	ssyncadd.s32 $0xFFFFFFFF  }
0xa5: {  	s26 =	simm.s32 $execute0_lowered;
	[smem:$0x3FD2] =	sst s25  }
0xa6: {  	s5 =	sshll.u32 s26, $0x1;
	_ =	strace $0x80000046;
	[dreg:$0x1] =	wrdreg $0xFFFFFFFF  }
0xa7: {  	s28 =	simm.s32 $_size_execute0_lowered;
	s3 =	sadd.s32 s3, s5;
	[dreg:$0x0] =	wrdreg $0x0  }
0xa8: {  	s5 =	sshll.u32 s28, $0x1;
	[dreg:$0x2] =	wrdreg s3  }
0xa9: {  	[dreg:$0x3] =	wrdreg s5  }
0xaa: {  	[dreg:$0x4] =	wrdreg $0xC0  }
0xab: {  	_ =	task [dreg:s7], $0x5FFFF  }
0xac: {  	[dreg:$0x1] =	wrdreg $0xFFFFFFFF  }
0xad: {  	[dreg:$0x0] =	wrdreg $0x60  }
0xae: {  	[dreg:$0x2] =	wrdreg s2  }
0xaf: {  	[dreg:$0x3] =	wrdreg s24  }
0xb0: {  	[dreg:$0x4] =	wrdreg $0x5E200  }
0xb1: {  	[dreg:$0x5] =	wrdreg $0x9  }
0xb2: {  	_ =	task.clear_ibuf [dreg:s7], $0x6FFFF;
	_ =	strace $0x90000046  }
0xb3: {  	s29 =	simm.s32 $0x9;
	_ =	strace $0x80000048  }
0xb4: {  	_ =	swait.ge [sflag:s29], $0x1  }
0xb5: {  	[sflag:s29] =	ssyncadd.s32 $0xFFFFFFFF  }
0xb6: {  	_ =	strace $0x90000048  }
0xb7: {  	_ =	sfence  }
0xb8: {  	s30 =	sld [smem:$0x0];
	_ =	sdelay $0x2  }
0xb9: {  	s31 =	sshll.u32 s1, $0xD;
	s1 =	sshrl.u32 s1, $0x2  }
0xba: {  	s3 =	sand.u32 $0x4000, s31;
	s1 =	sadd.s32 s1, s30  }
0xbb: {  	s0 =	sor.u32 s3, s0;
	s1 =	sshll.u32 s1, $0x11  }
0xbc: {  	s0 =	sor.u32 s1, s0  }
0xbd: {  	s0 =	sadd.s32 $0x8F2B, s0  }
0xbe: {  	[sflag:s0] =	ssyncadd.remote.s32 $0x1  }
0xbf: {  	_ =	sfence.sel $0xFFFF  }
0xc0: {  	[dreg:$0x0] =	wrdreg $0xFFFFFFFF;
	(pc) =	sbr.abs _section_cstart, $3  }
0xc1: {  	[dreg:$0x1] =	wrdreg $0xFFFFFFFF  }
0xc2: {  	_ =	task.clear_ibuf [dreg:s7], $0x2FFFF;
	_ =	strace $0x9FFFFFFF  }
0xc3: {  	(tm) =	ssettm $0x7FFFFFFF  }
tec
execute0_lowered:
.L_overlay_start_1:
0x0: {  	(tag) =	ssettag $0x1  }
0x1: {  	s0 =	rddreg [dreg:$0x0]  }
0x2: {  	s2 =	rddreg [dreg:$0x1]  }
0x3: {  	s1 =	rddreg [dreg:$0x2];
	s3 =	simm.s32 $0x0;
	s26 =	srdreg.scid  }
0x4: {  	s12 =	stileid.u32;
	s14 =	simm.s32 $0x3;
	s15 =	simm.s32 $0x80  }
0x5: {  	s16 =	simm.s32 $0x5620;
	s22 =	simm.s32 $0x0;
	s10 =	smul.u32 $0x2780, s12  }
0x6: {  	[smem:$0x7FF] =	sst s3;
	s8 =	sadd.s32 $0x4E3000, s2;
	s9 =	smul.u32 $0x4E200, s12  }
0x7: {  	s3 =	sand.u32 $0x1, s26;
	s4 =	sadd.s32 $0x1000, s2;
	s29 =	smul.u32 $0x9C4, s12  }
0x8: {  	s5 =	sadd.s32 $0x1200, s2;
	s30 =	sshll.u32 s12, $0x6;
	s12 =	smul.u32 $0x9C40, s12  }
0x9: {  	_ =	strace $0x80000047;
	s6 =	smul.u32 $0x4F00, s3;
	s7 =	ssub.s32 $0x2, s3  }
0xa: {  	p0 =	sne.s32 s3, $0x0;
	s28 =	sshrl.u32 s7, $0x1;
	s13 =	sadd.s32 s10, s1  }
0xb: {  	s9 =	sshrl.u32 s9, $0x3;
	s17 =	sshrl.u32 s10, $0x3;
	s2 =	sadd.s32 s6, s2  }
0xc: {  	s11 =	ssub.s32 s7, s28;
	s6 =	sor.u32 $0x1C03, s30;
	s7 =	sadd.s32 s0, s29  }
0xd: {  	s31 =	sadd.s32 s8, s9;
	s8 =	sadd.s32 s8, s12;
	s13 =	sshrl.u32 s13, $0x3  }
0xe: {  	s9 =	sadd.s32 $0x9C00, s31;
	s2 =	sadd.s32 $0x1800, s2;
	s10 =	smax.u32 s11, $0x1  }
0xf: {  	s11 =	sadd.s32 $0x200, s8;
	s12 =	sadd.s32 $0x9B00, s31;
	s21 =	sadd.s32 s17, s2  }
.LBB2_1:
0x10: {  	[spmem:s13], [sflag:s6] =	dma.local [hbm:s5], $0x4F0  }
0x11: {  	_ =	swait.ge [sflag:s14], $0x4F0  }
0x12: {  	[sflag:s14] =	ssyncset.done $0x0  }
0x13: {  	s0 =	simm.s32 $0x0;
	[sflag:s14] =	ssyncadd.s32 $0xFFFFFB10  }
0x14: {  	[tilespmem:s0], [sflag:$0x3] =	stream.linear.gather [hbm4b:s7+s0], $0x4E20, $0x38;
	[tilespmem:$0x85A0] =	vst v63  }
0x15: {  	_ =	swait.ge [sflag:s14], $0x4E20  }
0x16: {  	[sflag:s14] =	ssyncset.done $0x0  }
0x17: {  	s26 =	simm.s32 @p0 $0x4E20;
	[sflag:s14] =	ssyncadd.s32 $0xFFFFB1E0  }
0x18: {  	s2 =	simm.s32 @p0 $0x3;
	s0 =	simm.s32 @p0 $0x0;
	[bflag:$0x0] =	sbarrier.arrive $0xFFFF  }
0x19: {  	[tilespmem:s26], [sflag:$0x3] =	stream.linear.gather @p0 [hbm4b:s4+s0], $0x800, $0x38;
	[tilespmem:$0x85A0] =	vst v63  }
0x1a: {  	_ =	swait.ge @p0 [sflag:s2], $0x800  }
0x1b: {  	[sflag:s2] =	ssyncset.done @p0 $0x0  }
0x1c: {  	s3 =	simm.s32 @p0 $0x5620;
	[sflag:s2] =	ssyncadd.s32 @p0 $0xFFFFF800  }
0x1d: {  	[tilespmem:s3], [sflag:$0x3] =	stream.linear.gather @p0 [hbm4b:s4+s0], $0x800, $0x38;
	[tilespmem:$0x85A0] =	vst v63  }
0x1e: {  	_ =	swait.ge @p0 [sflag:s2], $0x800  }
0x1f: {  	[sflag:s2] =	ssyncset.done @p0 $0x0  }
0x20: {  	s24 =	simm.s32 @!p0 $0x0;
	s25 =	simm.s32 @!p0 $0x4E20;
	[sflag:s2] =	ssyncadd.s32 @p0 $0xFFFFF800  }
0x21: {  	[tilespmem:s25], [sflag:$0x1] =	stream.linear.gather @!p0 [hbm4b:s8+s24], $0x800, $0x38;
	[tilespmem:$0x85A0] =	vst v63  }
0x22: {  	s28 =	simm.s32 @p0 $0x80;
	s0 =	simm.s32 @p0 $0x0  }
0x23: {  	[spmem:s1] =	stream.indirect.scatter.add.f32 @p0 [tilespmem:s26], [sflag:$0x3], $0x10, s0, s28, $0xb8;
	[tilespmem:$0x85A0] =	vst v63  }
0x24: {  	s23 =	simm.s32 @!p0 $0x1;
	s29 =	simm.s32 @!p0 $0x5620;
	s0 =	sadd.s32 @!p0 $0xFFFFFF00, s11  }
0x25: {  	[tilespmem:s29], [sflag:$0x2] =	stream.linear.gather @!p0 [hbm4b:s0+s24], $0x800, $0x38;
	[tilespmem:$0x85A0] =	vst v63  }
0x26: {  	_ =	swait.ge @!p0 [sflag:s23], $0x800  }
0x27: {  	s31 =	simm.s32 @!p0 $0x3;
	[sflag:s23] =	ssyncset.done @!p0 $0x0  }
0x28: {  	s3 =	simm.s32 @!p0 $0x80;
	s0 =	simm.s32 @!p0 $0x0;
	[sflag:s23] =	ssyncadd.s32 @!p0 $0xFFFFF800  }
0x29: {  	[spmem:s1] =	stream.indirect.scatter.add.f32 @!p0 [tilespmem:s25], [sflag:$0x3], $0x10, s0, s3, $0xb8;
	[tilespmem:$0x85A0] =	vst v63  }
0x2a: {  	_ =	swait.ge @!p0 [sflag:s31], $0x800  }
0x2b: {  	s2 =	simm.s32 @!p0 $0x2;
	[sflag:s31] =	ssyncset.done @!p0 $0x0  }
0x2c: {  	s2 =	simm.s32 @p0 $0x3;
	[sflag:s31] =	ssyncadd.s32 @!p0 $0xFFFFF800  }
0x2d: {  	[tilespmem:s25], [sflag:$0x1] =	stream.linear.gather @!p0 [hbm4b:s11+s24], $0x800, $0x38;
	[tilespmem:$0x85A0] =	vst v63  }
0x2e: {  	_ =	swait.ge [sflag:s2], $0x800  }
0x2f: {  	s20 =	simm.s32 $0x80;
	[sflag:s2] =	ssyncset.done $0x0  }
0x30: {  	s30 =	simm.s32 $0x400;
	s18 =	simm.s32 @p0 $0x100;
	[sflag:s2] =	ssyncadd.s32 $0xFFFFF800  }
0x31: {  	[spmem:s1] =	stream.indirect.scatter.add.f32 [tilespmem:s16], [sflag:$0x3], $0x10, s20, s15, $0xb8;
	[tilespmem:$0x85A0] =	vst v63  }
0x32: {  	s17 =	simm.s32 $0x800;
	s0 =	sadd.s32 $0x200, s11;
	_ =	swait.ge [sflag:s14], $0x800  }
.LBB2_2:
0x33: {  	s19 =	sshra.s32 @p0 s17, $0x2;
	[sflag:s14] =	ssyncset.done $0x0  }
0x34: {  	s20 =	smov.u32 s17;
	s17 =	sadd.s32 $0x400, s17;
	[sflag:s14] =	ssyncadd.s32 $0xFFFFF800  }
0x35: {  	[spmem:s1] =	stream.indirect.scatter.add.f32 @p0 [tilespmem:s26], [sflag:$0x3], $0x10, s18, s28, $0xb8;
	[tilespmem:$0x85A0] =	vst v63  }
0x36: {  	p1 =	sne.s32 s17, $0x13400;
	s18 =	sadd.s32 @!p0 $0xFFFFFF00, s0  }
0x37: {  	[tilespmem:s29], [sflag:$0x2] =	stream.linear.gather @!p0 [hbm4b:s18+s24], $0x800, $0x38;
	[tilespmem:$0x85A0] =	vst v63  }
0x38: {  	s18 =	smov.u32 s19;
	_ =	swait.ge @!p0 [sflag:s23], $0x800  }
0x39: {  	s19 =	sshra.s32 @!p0 s30, $0x2;
	[sflag:s23] =	ssyncset.done @!p0 $0x0  }
0x3a: {  	[sflag:s23] =	ssyncadd.s32 @!p0 $0xFFFFF800  }
0x3b: {  	[spmem:s1] =	stream.indirect.scatter.add.f32 @!p0 [tilespmem:s25], [sflag:$0x3], $0x10, s19, s3, $0xb8;
	[tilespmem:$0x85A0] =	vst v63  }
0x3c: {  	_ =	swait.ge @!p0 [sflag:s31], $0x800  }
0x3d: {  	[sflag:s31] =	ssyncset.done @!p0 $0x0  }
0x3e: {  	[sflag:s31] =	ssyncadd.s32 @!p0 $0xFFFFF800  }
0x3f: {  	[tilespmem:s25], [sflag:$0x1] =	stream.linear.gather @!p0 [hbm4b:s0+s24], $0x800, $0x38;
	[tilespmem:$0x85A0] =	vst v63  }
.Ltmp0:
0x40: {  	s19 =	sshra.s32 s30, $0x2;
	_ =	swait.ge [sflag:s2], $0x800;
	(pc) =	sbr.rel @p1 .LBB2_2-.Ltmp0, $4  }
0x41: {  	s30 =	smov.u32 s20;
	s19 =	sadd.s32 $0x80, s19;
	[sflag:s2] =	ssyncset.done $0x0  }
0x42: {  	[sflag:s2] =	ssyncadd.s32 $0xFFFFF800  }
0x43: {  	[spmem:s1] =	stream.indirect.scatter.add.f32 [tilespmem:s16], [sflag:$0x3], $0x10, s19, s15, $0xb8;
	[tilespmem:$0x85A0] =	vst v63  }
0x44: {  	s0 =	sadd.s32 $0x200, s0;
	_ =	swait.ge [sflag:s14], $0x800  }
0x45: {  	[sflag:s14] =	ssyncset.done $0x0  }
0x46: {  	s2 =	simm.s32 @p0 $0x80;
	[sflag:s14] =	ssyncadd.s32 $0xFFFFF800  }
0x47: {  	[spmem:s1] =	stream.indirect.scatter.add.f32 @p0 [tilespmem:s26], [sflag:$0x3], $0x10, s18, s2, $0xb8;
	[tilespmem:$0x85A0] =	vst v63  }
0x48: {  	s3 =	sadd.s32 @!p0 $0xFFFFFF00, s0;
	s17 =	simm.s32 @!p0 $0x5620  }
0x49: {  	[tilespmem:s17], [sflag:$0x2] =	stream.linear.gather @!p0 [hbm4b:s3+s24], $0x800, $0x38;
	[tilespmem:$0x85A0] =	vst v63  }
0x4a: {  	_ =	swait.ge @!p0 [sflag:s23], $0x800  }
0x4b: {  	s19 =	simm.s32 @!p0 $0x80;
	[sflag:s23] =	ssyncset.done @!p0 $0x0  }
0x4c: {  	s18 =	sshra.s32 @!p0 s30, $0x2;
	s3 =	simm.s32 @!p0 $0x3;
	[sflag:s23] =	ssyncadd.s32 @!p0 $0xFFFFF800  }
0x4d: {  	[spmem:s1] =	stream.indirect.scatter.add.f32 @!p0 [tilespmem:s25], [sflag:$0x3], $0x10, s18, s19, $0xb8;
	[tilespmem:$0x85A0] =	vst v63  }
0x4e: {  	_ =	swait.ge @!p0 [sflag:s3], $0x800  }
0x4f: {  	s18 =	simm.s32 @!p0 $0x2;
	[sflag:s3] =	ssyncset.done @!p0 $0x0  }
0x50: {  	s18 =	simm.s32 @p0 $0x3;
	[sflag:s3] =	ssyncadd.s32 @!p0 $0xFFFFF800  }
0x51: {  	[tilespmem:s25], [sflag:$0x1] =	stream.linear.gather @!p0 [hbm4b:s0+s24], $0x800, $0x38;
	[tilespmem:$0x85A0] =	vst v63  }
0x52: {  	_ =	swait.ge [sflag:s18], $0x800  }
0x53: {  	s26 =	sshra.s32 s30, $0x2;
	[sflag:s18] =	ssyncset.done $0x0  }
0x54: {  	s0 =	sadd.s32 $0x80, s26;
	[sflag:s18] =	ssyncadd.s32 $0xFFFFF800  }
0x55: {  	[spmem:s1] =	stream.indirect.scatter.add.f32 [tilespmem:s16], [sflag:$0x3], $0x10, s0, s15, $0xb8;
	[tilespmem:$0x85A0] =	vst v63  }
0x56: {  	_ =	swait.ge [sflag:s14], $0x800  }
0x57: {  	[sflag:s14] =	ssyncset.done $0x0  }
0x58: {  	s20 =	simm.s32 @p0 $0x4E20;
	s0 =	simm.s32 @p0 $0x4D00;
	[sflag:s14] =	ssyncadd.s32 $0xFFFFF800  }
0x59: {  	[spmem:s1] =	stream.indirect.scatter.add.f32 @p0 [tilespmem:s20], [sflag:$0x3], $0x10, s0, s2, $0xb8;
	[tilespmem:$0x85A0] =	vst v63  }
0x5a: {  	s0 =	simm.s32 @!p0 $0x0  }
0x5b: {  	[tilespmem:s17], [sflag:$0x2] =	stream.linear.gather @!p0 [hbm4b:s12+s0], $0x800, $0x38;
	[tilespmem:$0x85A0] =	vst v63  }
0x5c: {  	_ =	swait.ge @!p0 [sflag:s23], $0x800  }
0x5d: {  	[sflag:s23] =	ssyncset.done @!p0 $0x0  }
0x5e: {  	s2 =	simm.s32 @!p0 $0x4D00;
	s17 =	simm.s32 @!p0 $0x4E20;
	[sflag:s23] =	ssyncadd.s32 @!p0 $0xFFFFF800  }
0x5f: {  	[spmem:s1] =	stream.indirect.scatter.add.f32 @!p0 [tilespmem:s17], [sflag:$0x3], $0x10, s2, s19, $0xb8;
	[tilespmem:$0x85A0] =	vst v63  }
0x60: {  	_ =	swait.ge @!p0 [sflag:s3], $0x800  }
0x61: {  	[sflag:s3] =	ssyncset.done @!p0 $0x0  }
0x62: {  	[sflag:s3] =	ssyncadd.s32 @!p0 $0xFFFFF800  }
0x63: {  	_ =	swait.ge [sflag:s18], $0x800  }
0x64: {  	[sflag:s18] =	ssyncset.done $0x0  }
0x65: {  	s28 =	simm.s32 $0x4D80;
	[sflag:s18] =	ssyncadd.s32 $0xFFFFF800  }
0x66: {  	[spmem:s1] =	stream.indirect.scatter.add.f32 [tilespmem:s16], [sflag:$0x3], $0x10, s28, s15, $0xb8;
	[tilespmem:$0x85A0] =	vst v63  }
0x67: {  	_ =	swait.ge [sflag:s14], $0x800  }
0x68: {  	[sflag:s14] =	ssyncset.done $0x0  }
0x69: {  	[sflag:s14] =	ssyncadd.s32 $0xFFFFF800  }
0x6a: {  	[tilespmem:s17], [sflag:$0x3] =	stream.linear.gather @!p0 [hbm4b:s9+s0], $0x200, $0x38;
	[tilespmem:$0x85A0] =	vst v63  }
0x6b: {  	_ =	swait.ge @!p0 [sflag:s3], $0x200  }
0x6c: {  	s29 =	simm.s32 $0x20;
	[sflag:s3] =	ssyncset.done @!p0 $0x0  }
0x6d: {  	s31 =	simm.s32 $0x4E20;
	s30 =	simm.s32 $0x4E00;
	[sflag:s3] =	ssyncadd.s32 @!p0 $0xFFFFFE00  }
0x6e: {  	[spmem:s1] =	stream.indirect.scatter.add.f32 [tilespmem:s31], [sflag:$0x3], $0x10, s30, s29, $0xb8;
	[tilespmem:$0x85A0] =	vst v63  }
0x6f: {  	_ =	swait.ge [sflag:s14], $0x200  }
0x70: {  	s22 =	sadd.s32 $0x1, s22;
	[sflag:s14] =	ssyncset.done $0x0  }
0x71: {  	p1 =	sne.s32 s22, s10;
	[sflag:s14] =	ssyncadd.s32 $0xFFFFFE00  }
.Ltmp1:
0x72: {  	[bflag:$0x0] =	sbarrier.arrive $0xFFFF;
	(pc) =	sbr.rel @p1 .LBB2_1-.Ltmp1, $4  }
0x73: {  	[hbm:s21], [sflag:s6] =	dma.local [spmem:s13], $0x4F0  }
0x74: {  	_ =	swait.ge [sflag:s14], $0x4F0  }
0x75: {  	[sflag:s14] =	ssyncset.done $0x0  }
0x76: {  	[sflag:s14] =	ssyncadd.s32 $0xFFFFFB10  }
0x77: {  	_ =	sfence.sel $0x180000  }
0x78: {  	[bflag:$0x0] =	sbarrier.arrive $0xFFFF  }
0x79: {  	_ =	strace $0x90000047  }
0x7a: {  	s0 =	stileid.u32;
	[bflag:$0x2] =	sbarrier.arrive $0xFFFF  }
0x7b: {  	p0 =	sne.s32 s0, $0x0;
	s0 =	rddreg [dreg:$0x3]  }
0x7c: {  	s0 =	sadd.s32 @!p0 $0x100000, s0  }
0x7d: {  	[sflag:s0] =	ssyncadd.tile.s32 @!p0 $0x1;
	_ =	shalt  }
.Lfunc_end2:
_tile_overlayer_lowered:
.L_overlay_start_2:
0x7e: {  	(tag) =	ssettag $0x2  }
0x7f: {  	s0 =	rddreg [dreg:$0x0];
	s2 =	stileid.u32  }
0x80: {  	s1 =	rddreg [dreg:$0x1];
	p0 =	sne.s32 s2, $0x0  }
0x81: {  	s3 =	rddreg [dreg:$0x2];
	[bflag:$0x3] =	sbarrier.arrive $0xFFFF;
	s2 =	simm.s32 @!p0 $0x1C03  }
0x82: {  	[timem:s3], [sflag:s2] =	dma.local @!p0 [hbm:s0], s1  }
0x83: {  	s0 =	simm.s32 @!p0 $0x3  }
0x84: {  	_ =	swait.ge @!p0 [sflag:s0], s1  }
0x85: {  	s1 =	ssub.s32 @!p0 $0x0, s1;
	[sflag:s0] =	ssyncset.done @!p0 $0x0  }
0x86: {  	[sflag:s0] =	ssyncadd.s32 @!p0 s1  }
0x87: {  	[bflag:$0x3] =	sbarrier.arrive $0xFFFF  }
0x88: {  	_ =	shalt  }

// kernel: kernel.8.cloned.1.call-start
scs
__scs_entry_jumppad:
0x0: {  	(pc) =	sbr.rel $0x88, $3  }
0x1: {  	(tag) =	ssettag $0x0;
	lr =	simm.s32 $0x1  }
0x2: {  	[smem:$0x3F9D] =	sst lr;
	_ =	strace $0xD0000000  }
0x3: {  	_ = 	snop  }
0x4: {  	_ = 	snop  }
0x5: {  	_ = 	snop  }
0x6: {  	_ = 	snop  }
0x7: {  	_ = 	snop  }
__scs_overlays_trampoline_lowered:
0x8: {  	[smem:$0x3FAC] =	sst s0  }
0x9: {  	[smem:$0x3FAD] =	sst s1  }
0xa: {  	[smem:$0x3FAE] =	sst s2  }
0xb: {  	[smem:$0x3FAF] =	sst s3  }
0xc: {  	[smem:$0x3FB0] =	sst s4  }
0xd: {  	[smem:$0x3FB1] =	sst s5  }
0xe: {  	[smem:$0x3FB2] =	sst s6  }
0xf: {  	[smem:$0x3FB3] =	sst s7  }
0x10: {  	[smem:$0x3FB4] =	sst s8  }
0x11: {  	[smem:$0x3FB5] =	sst s9;
	s0 =	simm.s32 @!p0 $0x0  }
0x12: {  	s1 =	sld [smem:$0x3F9B];
	s0 =	simm.s32 @p0 $0x1  }
0x13: {  	[smem:$0x3FB6] =	sst s0;
	s0 =	simm.s32 @!p1 $0x0  }
0x14: {  	s2 =	sld [smem:$0x3F9A];
	s0 =	simm.s32 @p1 $0x1  }
0x15: {  	[smem:$0x3FB7] =	sst s0;
	s0 =	simm.s32 @!p2 $0x0  }
0x16: {  	s3 =	sld [smem:$0x3FDB];
	s0 =	simm.s32 @p2 $0x1  }
0x17: {  	s4 =	simm.s32 $0x1BF5;
	[smem:$0x3FB9] =	sst s0  }
0x18: {  	s0 =	sld [smem:$0x3F9C];
	_ =	swait.ge [sflag:s4], $0x0  }
0x19: {  	s7 =	sld [smem:$0x3F9D]  }
0x1a: {  	s8 =	sadd.s32 $0xFFFFE003, lr  }
0x1b: {  	s9 =	sadd.s32 $0xFFFFFEF7, lr;
	s5 =	simm.s32 $0xFFFFFFFF;
	p2 =	slt.u32 s8, $0xFFFFF086  }
0x1c: {  	p1 =	slt.u32 s9, $0xF7A;
	s5 =	simm.s32 @!p2 $0x0  }
0x1d: {  	s5 =	simm.s32 @p1 $0x1;
	p0 =	seq.s32 s7, s2  }
0x1e: {  	s7 =	smul.u32 @!p0 $0xF7A, s2;
	p2 =	seq.s32 @!p0 s5, $0x0  }
0x1f: {  	s9 =	smul.u32 $0xF7A, s1;
	s8 =	simm.s32 @!p0 $0x1BF5;
	p2 =	por !p2, p0  }
0x20: {  	[sflag:s8] =	ssyncset.s32 @!p0 $0xFFFFF086;
	s6 =	sadd.s32 @!p0 s3, s7;
	s7 =	simm.s32 @!p0 $0x108  }
0x21: {  	s3 =	sadd.s32 s3, s9;
	s6 =	sadd.s32 @!p0 $0x88, s6;
	s7 =	simm.s32 @p2 $0x1082  }
0x22: {  	[simem:s7], [sflag:s8] =	dma.local @!p0 [hbm:s6], $0xF7A  }
0x23: {  	s9 =	sor.u32 $0xD0000000, s2;
	s6 =	simm.s32 $0x108;
	_ =	swait.ge @!p0 [sflag:s8], $0x0  }
0x24: {  	s3 =	sadd.s32 $0x88, s3;
	s6 =	simm.s32 @!p1 $0x1082;
	[sflag:s4] =	ssyncset.s32 $0xFFFFF086  }
0x25: {  	[simem:s6], [sflag:s4] =	dma.local [hbm:s3], $0xF7A  }
0x26: {  	[smem:$0x3F9D] =	sst s1;
	(tag) =	ssettag s2;
	_ =	strace s9  }
0x27: {  	s1 =	sld [smem:$0x3FAD]  }
0x28: {  	s2 =	sld [smem:$0x3FAE]  }
0x29: {  	s4 =	sld [smem:$0x3FB0]  }
0x2a: {  	p0 =	seq.s32 s5, $0x0;
	s5 =	sld [smem:$0x3FB1]  }
0x2b: {  	s6 =	sld [smem:$0x3FB2]  }
0x2c: {  	s7 =	sld [smem:$0x3FB3]  }
0x2d: {  	s3 =	simm.s32 $0x108;
	s8 =	sld [smem:$0x3FB4]  }
0x2e: {  	s3 =	simm.s32 @!p0 $0x1082;
	s9 =	sld [smem:$0x3FB5]  }
0x2f: {  	lr =	sadd.s32 s0, s3;
	s0 =	sld [smem:$0x3FAC]  }
0x30: {  	s3 =	sld [smem:$0x3FAF]  }
0x31: {  	[smem:$0x3FB8] =	sst s10  }
0x32: {  	s10 =	sld [smem:$0x3FB6];
	_ =	sdelay $0x3  }
0x33: {  	p0 =	seq.s32 s10, $0x1;
	s10 =	sld [smem:$0x3FB8];
	_ =	sdelay $0x3  }
0x34: {  	[smem:$0x3FB8] =	sst s10  }
0x35: {  	s10 =	sld [smem:$0x3FB7];
	_ =	sdelay $0x3  }
0x36: {  	p1 =	seq.s32 s10, $0x1;
	s10 =	sld [smem:$0x3FB8];
	_ =	sdelay $0x3  }
0x37: {  	[smem:$0x3FB8] =	sst s10  }
0x38: {  	s10 =	sld [smem:$0x3FB9]  }
0x39: {  	_ = 	snop;
	(pc) =	sbr.ind lr, $3  }
0x3a: {  	_ = 	snop  }
0x3b: {  	_ = 	snop  }
0x3c: {  	p2 =	seq.s32 s10, $0x1;
	s10 =	sld [smem:$0x3FB8]  }
0x3d: {  	_ =	shalt  }
0x3e: {  	_ =	shalt  }
0x3f: {  	_ =	shalt  }
0x40: {  	_ =	shalt  }
0x41: {  	_ =	shalt  }
0x42: {  	_ =	shalt  }
0x43: {  	_ =	shalt  }
0x44: {  	_ =	shalt  }
0x45: {  	_ =	shalt  }
0x46: {  	_ =	shalt  }
0x47: {  	_ =	shalt  }
0x48: {  	_ =	shalt  }
0x49: {  	_ =	shalt  }
0x4a: {  	_ =	shalt  }
0x4b: {  	_ =	shalt  }
0x4c: {  	_ =	shalt  }
0x4d: {  	_ =	shalt  }
0x4e: {  	_ =	shalt  }
0x4f: {  	_ =	shalt  }
0x50: {  	_ =	shalt  }
0x51: {  	_ =	shalt  }
0x52: {  	_ =	shalt  }
0x53: {  	_ =	shalt  }
0x54: {  	_ =	shalt  }
0x55: {  	_ =	shalt  }
0x56: {  	_ =	shalt  }
0x57: {  	_ =	shalt  }
0x58: {  	_ =	shalt  }
0x59: {  	_ =	shalt  }
0x5a: {  	_ =	shalt  }
0x5b: {  	_ =	shalt  }
0x5c: {  	_ =	shalt  }
0x5d: {  	_ =	shalt  }
0x5e: {  	_ =	shalt  }
0x5f: {  	_ =	shalt  }
0x60: {  	_ =	shalt  }
0x61: {  	_ =	shalt  }
0x62: {  	_ =	shalt  }
0x63: {  	_ =	shalt  }
0x64: {  	_ =	shalt  }
0x65: {  	_ =	shalt  }
0x66: {  	_ =	shalt  }
0x67: {  	_ =	shalt  }
0x68: {  	_ =	shalt  }
0x69: {  	_ =	shalt  }
0x6a: {  	_ =	shalt  }
0x6b: {  	_ =	shalt  }
0x6c: {  	_ =	shalt  }
0x6d: {  	_ =	shalt  }
0x6e: {  	_ =	shalt  }
0x6f: {  	_ =	shalt  }
0x70: {  	_ =	shalt  }
0x71: {  	_ =	shalt  }
0x72: {  	_ =	shalt  }
0x73: {  	_ =	shalt  }
0x74: {  	_ =	shalt  }
0x75: {  	_ =	shalt  }
0x76: {  	_ =	shalt  }
0x77: {  	_ =	shalt  }
0x78: {  	_ =	shalt  }
0x79: {  	_ =	shalt  }
0x7a: {  	_ =	shalt  }
0x7b: {  	_ =	shalt  }
0x7c: {  	_ =	shalt  }
0x7d: {  	_ =	shalt  }
0x7e: {  	_ =	shalt  }
0x7f: {  	_ =	shalt  }
0x80: {  	_ =	shalt  }
0x81: {  	_ =	shalt  }
0x82: {  	_ =	shalt  }
0x83: {  	_ =	shalt  }
0x84: {  	_ =	shalt  }
0x85: {  	_ =	shalt  }
0x86: {  	_ =	shalt  }
0x87: {  	_ =	shalt  }
.Lfunc_end0:
.L_simem_size_0:
called_computation.1_lowered:
.L_overlay_start_0:
0x88: {  	s2 =	sld [smem:$0x3FD9]  }
0x89: {  	s3 =	sld [smem:$0x3FFE];
	_ =	sdelay $0x1  }
0x8a: {  	s1 =	srdreg.scid  }
0x8b: {  	s0 =	sand.u32 $0x1, s1  }
0x8c: {  	s17 =	sshll.u32 s0, $0xA;
	s2 =	sadd.s32 s3, s2  }
0x8d: {  	s2 =	sadd.s32 s2, s17  }
0x8e: {  	[smem:$0x3FC4] =	sst s2  }
0x8f: {  	_ = 	snop  }
0x90: {  	s18 =	sld [smem:$0x3FC9]  }
0x91: {  	s4 =	sld [smem:$0x3FD0];
	(tm) =	ssettm $0x1  }
0x92: {  	s19 =	sld [smem:$0x3FFB];
	_ =	sdelay $0x3  }
0x93: {  	_ =	strace s19  }
0x94: {  	s2 =	sld [smem:$0x3FFC];
	_ =	sdelay $0x3  }
0x95: {  	_ =	strace s2  }
0x96: {  	s2 =	sld [smem:$0x3FFD];
	_ =	sdelay $0x3  }
0x97: {  	_ =	strace s2  }
0x98: {  	_ =	strace $0x8FFFFFFF  }
0x99: {  	s20 =	sld [smem:$0x3FDB];
	_ =	sdelay $0x1  }
0x9a: {  	s5 =	simm.s32 $_scs_section_size  }
0x9b: {  	s6 =	simm.s32 $_size__tile_overlayer_lowered;
	s7 =	simm.s32 $_tile_overlayer_lowered  }
0x9c: {  	s8 =	simm.s32 $0x1BFF;
	s21 =	sshll.u32 s7, $0x1;
	s5 =	sadd.s32 s5, s20  }
0x9d: {  	s22 =	simm.s32 $0x0;
	s6 =	sshll.u32 s6, $0x1;
	s7 =	sadd.s32 s21, s5  }
0x9e: {  	[timem:s22], [sflag:s8] =	dma.local [hbm:s7], s6  }
0x9f: {  	_ =	swait.ge [sflag:s8], s6  }
0xa0: {  	s6 =	ssub.s32 $0x0, s6;
	[sflag:s8] =	ssyncset.done $0x0  }
0xa1: {  	[sflag:s8] =	ssyncadd.s32 s6;
	_ =	sdelay $0x1  }
0xa2: {  	s23 =	simm.s32 $0x1B8B  }
0xa3: {  	_ =	swait.ge [sflag:s23], $0x1  }
0xa4: {  	[sflag:s23] =	ssyncset.done $0x0  }
0xa5: {  	[sflag:s23] =	ssyncadd.s32 $0xFFFFFFFF  }
0xa6: {  	s6 =	sld [smem:$0x0]  }
0xa7: {  	s7 =	sand.u32 $0xFFFFFFFE, s1  }
0xa8: {  	p0 =	sne.s32 s1, s7  }
0xa9: {  	s7 =	sshll.u32 @p0 s7, $0xE  }
0xaa: {  	s7 =	sadd.s32 @p0 $0x11B8D, s7;
	s8 =	sshll.u32 @p0 s6, $0x11  }
0xab: {  	s7 =	sor.u32 @p0 s8, s7  }
0xac: {  	[sflag:s7] =	ssyncadd.remote.s32 @p0 $0x1;
	_ =	sdelay $0x1  }
0xad: {  	s7 =	simm.s32 @p0 $0x1B8D  }
0xae: {  	_ =	swait.eq @p0 [sflag:s7], $0x1  }
0xaf: {  	[sflag:s7] =	ssyncadd.s32 @p0 $0xFFFFFFFF  }
0xb0: {  	s8 =	sshll.u32 @!p0 s1, $0xE  }
0xb1: {  	s8 =	sor.u32 @!p0 $0x4000, s8;
	s7 =	simm.s32 @!p0 $0x1B8D  }
0xb2: {  	s6 =	sshll.u32 @!p0 s6, $0x11;
	s8 =	sadd.s32 @!p0 $0x11B8D, s8;
	_ =	swait.eq @!p0 [sflag:s7], $0x1  }
0xb3: {  	s6 =	sor.u32 @!p0 s6, s8;
	[sflag:s7] =	ssyncadd.s32 @!p0 $0xFFFFFFFF  }
0xb4: {  	s25 =	simm.s32 $0x1B8E;
	s24 =	sld [smem:$0x3FFE];
	[sflag:s6] =	ssyncadd.remote.s32 @!p0 $0x1  }
0xb5: {  	s26 =	simm.s32 $execute0_lowered;
	[smem:$0x3FD2] =	sst s25  }
0xb6: {  	s7 =	sshll.u32 s26, $0x1;
	_ =	strace $0x80000049;
	[dreg:$0x1] =	wrdreg $0xFFFFFFFF  }
0xb7: {  	s28 =	simm.s32 $_size_execute0_lowered;
	s5 =	sadd.s32 s5, s7;
	[dreg:$0x0] =	wrdreg $0x0  }
0xb8: {  	s7 =	sshll.u32 s28, $0x1;
	[dreg:$0x2] =	wrdreg s5  }
0xb9: {  	[dreg:$0x3] =	wrdreg s7  }
0xba: {  	[dreg:$0x4] =	wrdreg $0xC0  }
0xbb: {  	_ =	task [dreg:s22], $0x5FFFF  }
0xbc: {  	[dreg:$0x1] =	wrdreg $0xFFFFFFFF  }
0xbd: {  	[dreg:$0x0] =	wrdreg $0x60  }
0xbe: {  	[dreg:$0x2] =	wrdreg s4  }
0xbf: {  	[dreg:$0x3] =	wrdreg s18  }
0xc0: {  	[dreg:$0x4] =	wrdreg s24  }
0xc1: {  	[dreg:$0x5] =	wrdreg $0xDC400  }
0xc2: {  	[dreg:$0x6] =	wrdreg $0xA  }
0xc3: {  	_ =	task.clear_ibuf [dreg:s22], $0x7FFFF;
	_ =	strace $0x90000049  }
0xc4: {  	s29 =	simm.s32 $0xA;
	_ =	strace $0x8000004B  }
0xc5: {  	_ =	swait.ge [sflag:s29], $0x1  }
0xc6: {  	[sflag:s29] =	ssyncadd.s32 $0xFFFFFFFF  }
0xc7: {  	_ =	strace $0x9000004B  }
0xc8: {  	_ =	sfence  }
0xc9: {  	s30 =	sld [smem:$0x0];
	_ =	sdelay $0x2  }
0xca: {  	s31 =	sshll.u32 s1, $0xD;
	s1 =	sshrl.u32 s1, $0x2  }
0xcb: {  	s4 =	sand.u32 $0x4000, s31;
	s1 =	sadd.s32 s1, s30  }
0xcc: {  	s0 =	sor.u32 s4, s0;
	s1 =	sshll.u32 s1, $0x11  }
0xcd: {  	s0 =	sor.u32 s1, s0  }
0xce: {  	s0 =	sadd.s32 $0x8F2B, s0  }
0xcf: {  	[sflag:s0] =	ssyncadd.remote.s32 $0x1  }
0xd0: {  	_ =	sfence.sel $0xFFFF  }
0xd1: {  	[dreg:$0x0] =	wrdreg $0xFFFFFFFF;
	(pc) =	sbr.abs _section_cstart, $3  }
0xd2: {  	[dreg:$0x1] =	wrdreg $0xFFFFFFFF  }
0xd3: {  	_ =	task.clear_ibuf [dreg:s22], $0x2FFFF;
	_ =	strace $0x9FFFFFFF  }
0xd4: {  	(tm) =	ssettm $0x7FFFFFFF  }
0xd5: {  	_ =	shalt  }
tec
execute0_lowered:
.L_overlay_start_1:
0x0: {  	(tag) =	ssettag $0x1  }
0x1: {  	s7 =	rddreg [dreg:$0x0]  }
0x2: {  	s1 =	rddreg [dreg:$0x1]  }
0x3: {  	s6 =	rddreg [dreg:$0x2]  }
0x4: {  	s2 =	rddreg [dreg:$0x3]  }
0x5: {  	s0 =	rddreg [dreg:$0x4]  }
0x6: {  	s3 =	simm.s32 $0x0;
	s4 =	srdreg.scid;
	s14 =	simm.s32 $0x9C40  }
0x7: {  	s15 =	simm.s32 $0xBC40;
	s16 =	simm.s32 $0x1;
	s17 =	simm.s32 $0x2  }
0x8: {  	s18 =	simm.s32 $0x4D80;
	s19 =	simm.s32 $0x9B20;
	s20 =	simm.s32 $0x9BA0  }
0x9: {  	s21 =	simm.s32 $0x20;
	s22 =	simm.s32 $0x4E00;
	[smem:$0x7FF] =	sst s3  }
0xa: {  	s23 =	sand.u32 $0x1, s4;
	s5 =	sadd.s32 $0xB600, s6;
	s4 =	stileid.u32  }
0xb: {  	s13 =	sadd.s32 $0x9C40, s7;
	_ =	strace $0x8000004A;
	s8 =	smul.u32 $0x13C00, s23  }
0xc: {  	s9 =	ssub.s32 $0x2, s23;
	s10 =	smul.u32 $0x9E00, s4;
	s31 =	sshll.u32 s4, $0x6  }
0xd: {  	s11 =	smul.u32 $0x9C4, s4;
	v0 =	vmov s23;
	s23 =	simm.s32 $0x9C20;
	s30 =	sshrl.u32 s9, $0x1  }
0xe: {  	s8 =	sadd.s32 s8, s6;
	s9 =	ssub.s32 s9, s30;
	s12 =	sadd.s32 s10, s2  }
0xf: {  	s6 =	sor.u32 $0x1C03, s31;
	s7 =	sadd.s32 s7, s11;
	s25 =	sshrl.u32 s10, $0x3  }
0x10: {  	s10 =	simm.s32 $0x3;
	s11 =	sadd.s32 s11, s13;
	s13 =	simm.s32 $0x80  }
0x11: {  	s24 =	sadd.s32 $0xCA00, s8;
	s8 =	smax.u32 s9, $0x1;
	s9 =	sshrl.u32 s12, $0x3  }
0x12: {  	s12 =	simm.s32 $0x4E20;
	s24 =	sadd.s32 s25, s24;
	s25 =	simm.s32 $0x0  }
.LBB2_1:
0x13: {  	[spmem:s9], [sflag:s6] =	dma.local [hbm:s5], $0x13C0  }
0x14: {  	_ =	swait.ge [sflag:s10], $0x13C0  }
0x15: {  	[sflag:s10] =	ssyncset.done $0x0  }
0x16: {  	[sflag:s10] =	ssyncadd.s32 $0xFFFFEC40  }
0x17: {  	[tilespmem:s3], [sflag:$0x3] =	stream.linear.gather [hbm4b:s11+s3], $0x4E20, $0x38;
	[tilespmem:$0x17A40] =	vst v63  }
0x18: {  	_ =	swait.ge [sflag:s10], $0x4E20  }
0x19: {  	[sflag:s10] =	ssyncset.done $0x0  }
0x1a: {  	[sflag:s10] =	ssyncadd.s32 $0xFFFFB1E0  }
0x1b: {  	[tilespmem:s12], [sflag:$0x3] =	stream.linear.gather [hbm4b:s7+s3], $0x4E20, $0x38;
	[tilespmem:$0x17A40] =	vst v63  }
0x1c: {  	_ =	swait.ge [sflag:s10], $0x4E20  }
0x1d: {  	[sflag:s10] =	ssyncset.done $0x0  }
0x1e: {  	s26 =	simm.s32 $0x0;
	s28 =	simm.s32 $0x40;
	[sflag:s10] =	ssyncadd.s32 $0xFFFFB1E0  }
.LBB2_2:
0x1f: {  	p0 =	sne.s32 s28, $0x13840;
	v1 =	vld [tilespmem:s26+$0x0];
	_ =	sdelay $0x2  }
.Ltmp0:
0x20: {  	(pc) =	sbr.rel @p0 .LBB2_2-.Ltmp0, $4  }
0x21: {  	_ = 	snop  }
0x22: {  	v1 =	vshll.u32 v1, $0x1  }
0x23: {  	v1 =	vor.u32 v0, v1  }
0x24: {  	[tilespmem:s26+$0x0] =	vst v1;
	s26 =	sshra.s32 s28, $0x2;
	s28 =	sadd.s32 $0x40, s28  }
0x25: {  	v1 =	vld [tilespmem:s26+$0x0];
	_ =	sdelay $0x4  }
0x26: {  	v1 =	vshll.u32 v1, $0x1  }
0x27: {  	v1 =	vor.u32 v0, v1  }
0x28: {  	[tilespmem:s26+$0x0] =	vst v1  }
0x29: {  	s30 =	simm.s32 $0x0;
	[bflag:$0x0] =	sbarrier.arrive $0xFFFF  }
0x2a: {  	[tilespmem:s14], [sflag:$0x1] =	stream.indirect.gather [hbm4b:s1+s13], $0x40, s30, s13, $0xb8;
	[tilespmem:$0x17A40] =	vst v63  }
0x2b: {  	s31 =	simm.s32 $0x80  }
0x2c: {  	[tilespmem:s15], [sflag:$0x2] =	stream.indirect.gather [hbm4b:s1+s13], $0x40, s31, s13, $0xb8;
	[tilespmem:$0x17A40] =	vst v63  }
0x2d: {  	_ =	swait.ge [sflag:s16], $0x2000  }
0x2e: {  	[sflag:s16] =	ssyncset.done $0x0  }
0x2f: {  	s29 =	simm.s32 $0x4E20;
	[sflag:s16] =	ssyncadd.s32 $0xFFFFE000  }
0x30: {  	[spmem:s2] =	stream.indirect.scatter.add.f32 [tilespmem:s14], [sflag:$0x3], $0x40, s29, s13, $0xb8;
	[tilespmem:$0x17A40] =	vst v63  }
0x31: {  	_ =	swait.ge [sflag:s10], $0x2000  }
0x32: {  	[sflag:s10] =	ssyncset.done $0x0  }
0x33: {  	s30 =	simm.s32 $0x100;
	[sflag:s10] =	ssyncadd.s32 $0xFFFFE000  }
0x34: {  	[tilespmem:s14], [sflag:$0x1] =	stream.indirect.gather [hbm4b:s1+s13], $0x40, s30, s13, $0xb8;
	[tilespmem:$0x17A40] =	vst v63  }
0x35: {  	_ =	swait.ge [sflag:s17], $0x2000  }
0x36: {  	[sflag:s17] =	ssyncset.done $0x0  }
0x37: {  	s31 =	simm.s32 $0x4EA0;
	[sflag:s17] =	ssyncadd.s32 $0xFFFFE000  }
0x38: {  	[spmem:s2] =	stream.indirect.scatter.add.f32 [tilespmem:s15], [sflag:$0x3], $0x40, s31, s13, $0xb8;
	[tilespmem:$0x17A40] =	vst v63  }
0x39: {  	_ =	swait.ge [sflag:s10], $0x2000  }
0x3a: {  	s28 =	simm.s32 $0x800;
	s26 =	simm.s32 $0x100;
	[sflag:s10] =	ssyncset.done $0x0  }
.LBB2_4:
0x3b: {  	s29 =	sadd.s32 $0x80, s26  }
0x3c: {  	[sflag:s10] =	ssyncadd.s32 $0xFFFFE000;
	s30 =	smov.u32 s28;
	s31 =	sadd.s32 $0x400, s28  }
0x3d: {  	[tilespmem:s15], [sflag:$0x2] =	stream.indirect.gather [hbm4b:s1+s13], $0x40, s29, s13, $0xb8;
	[tilespmem:$0x17A40] =	vst v63  }
0x3e: {  	p0 =	sne.s32 s28, $0x13000;
	_ =	swait.ge [sflag:s16], $0x2000  }
0x3f: {  	[sflag:s16] =	ssyncset.done $0x0  }
0x40: {  	s28 =	sadd.s32 $0x4E20, s26;
	[sflag:s16] =	ssyncadd.s32 $0xFFFFE000  }
0x41: {  	[spmem:s2] =	stream.indirect.scatter.add.f32 [tilespmem:s14], [sflag:$0x3], $0x40, s28, s13, $0xb8;
	[tilespmem:$0x17A40] =	vst v63  }
0x42: {  	_ =	swait.ge [sflag:s10], $0x2000  }
0x43: {  	[sflag:s10] =	ssyncset.done $0x0  }
0x44: {  	s28 =	sadd.s32 $0x100, s26;
	[sflag:s10] =	ssyncadd.s32 $0xFFFFE000  }
0x45: {  	[tilespmem:s14], [sflag:$0x1] =	stream.indirect.gather [hbm4b:s1+s13], $0x40, s28, s13, $0xb8;
	[tilespmem:$0x17A40] =	vst v63  }
0x46: {  	_ =	swait.ge [sflag:s17], $0x2000  }
.Ltmp1:
0x47: {  	[sflag:s17] =	ssyncset.done $0x0;
	(pc) =	sbr.rel @p0 .LBB2_4-.Ltmp1, $4  }
0x48: {  	s26 =	sadd.s32 $0x4EA0, s26;
	[sflag:s17] =	ssyncadd.s32 $0xFFFFE000  }
0x49: {  	[spmem:s2] =	stream.indirect.scatter.add.f32 [tilespmem:s15], [sflag:$0x3], $0x40, s26, s13, $0xb8;
	[tilespmem:$0x17A40] =	vst v63  }
0x4a: {  	_ =	swait.ge [sflag:s10], $0x2000  }
0x4b: {  	s28 =	smov.u32 s31;
	s26 =	sshra.s32 s30, $0x2;
	[sflag:s10] =	ssyncset.done $0x0  }
0x4c: {  	s28 =	sadd.s32 $0x80, s26;
	[sflag:s10] =	ssyncadd.s32 $0xFFFFE000  }
0x4d: {  	[tilespmem:s15], [sflag:$0x2] =	stream.indirect.gather [hbm4b:s1+s13], $0x40, s28, s13, $0xb8;
	[tilespmem:$0x17A40] =	vst v63  }
0x4e: {  	_ =	swait.ge [sflag:s16], $0x2000  }
0x4f: {  	[sflag:s16] =	ssyncset.done $0x0  }
0x50: {  	s29 =	sadd.s32 $0x4E20, s26;
	[sflag:s16] =	ssyncadd.s32 $0xFFFFE000  }
0x51: {  	[spmem:s2] =	stream.indirect.scatter.add.f32 [tilespmem:s14], [sflag:$0x3], $0x40, s29, s13, $0xb8;
	[tilespmem:$0x17A40] =	vst v63  }
0x52: {  	_ =	swait.ge [sflag:s10], $0x2000  }
0x53: {  	[sflag:s10] =	ssyncset.done $0x0  }
0x54: {  	s30 =	sadd.s32 $0x100, s26;
	[sflag:s10] =	ssyncadd.s32 $0xFFFFE000  }
0x55: {  	[tilespmem:s14], [sflag:$0x1] =	stream.indirect.gather [hbm4b:s1+s13], $0x40, s30, s13, $0xb8;
	[tilespmem:$0x17A40] =	vst v63  }
0x56: {  	_ =	swait.ge [sflag:s17], $0x2000  }
0x57: {  	[sflag:s17] =	ssyncset.done $0x0  }
0x58: {  	s31 =	sadd.s32 $0x4EA0, s26;
	[sflag:s17] =	ssyncadd.s32 $0xFFFFE000  }
0x59: {  	[spmem:s2] =	stream.indirect.scatter.add.f32 [tilespmem:s15], [sflag:$0x3], $0x40, s31, s13, $0xb8;
	[tilespmem:$0x17A40] =	vst v63  }
0x5a: {  	_ =	swait.ge [sflag:s10], $0x2000  }
0x5b: {  	[sflag:s10] =	ssyncset.done $0x0  }
0x5c: {  	[sflag:s10] =	ssyncadd.s32 $0xFFFFE000  }
0x5d: {  	[tilespmem:s15], [sflag:$0x2] =	stream.indirect.gather [hbm4b:s1+s13], $0x40, s18, s13, $0xb8;
	[tilespmem:$0x17A40] =	vst v63  }
0x5e: {  	_ =	swait.ge [sflag:s16], $0x2000  }
0x5f: {  	[sflag:s16] =	ssyncset.done $0x0  }
0x60: {  	[sflag:s16] =	ssyncadd.s32 $0xFFFFE000  }
0x61: {  	[spmem:s2] =	stream.indirect.scatter.add.f32 [tilespmem:s14], [sflag:$0x3], $0x40, s19, s13, $0xb8;
	[tilespmem:$0x17A40] =	vst v63  }
0x62: {  	_ =	swait.ge [sflag:s10], $0x2000  }
0x63: {  	[sflag:s10] =	ssyncset.done $0x0  }
0x64: {  	[sflag:s10] =	ssyncadd.s32 $0xFFFFE000  }
0x65: {  	_ =	swait.ge [sflag:s17], $0x2000  }
0x66: {  	[sflag:s17] =	ssyncset.done $0x0  }
0x67: {  	[sflag:s17] =	ssyncadd.s32 $0xFFFFE000  }
0x68: {  	[spmem:s2] =	stream.indirect.scatter.add.f32 [tilespmem:s15], [sflag:$0x3], $0x40, s20, s13, $0xb8;
	[tilespmem:$0x17A40] =	vst v63  }
0x69: {  	_ =	swait.ge [sflag:s10], $0x2000  }
0x6a: {  	[sflag:s10] =	ssyncset.done $0x0  }
0x6b: {  	[sflag:s10] =	ssyncadd.s32 $0xFFFFE000  }
0x6c: {  	[tilespmem:s14], [sflag:$0x1] =	stream.indirect.gather [hbm4b:s1+s21], $0x40, s22, s21, $0xb8;
	[tilespmem:$0x17A40] =	vst v63  }
0x6d: {  	_ =	swait.ge [sflag:s16], $0x800  }
0x6e: {  	[sflag:s16] =	ssyncset.done $0x0  }
0x6f: {  	[sflag:s16] =	ssyncadd.s32 $0xFFFFF800  }
0x70: {  	[spmem:s2] =	stream.indirect.scatter.add.f32 [tilespmem:s14], [sflag:$0x3], $0x40, s23, s21, $0xb8;
	[tilespmem:$0x17A40] =	vst v63  }
0x71: {  	_ =	swait.ge [sflag:s10], $0x800  }
0x72: {  	s25 =	sadd.s32 $0x1, s25;
	[sflag:s10] =	ssyncset.done $0x0  }
0x73: {  	p0 =	sne.s32 s25, s8;
	[sflag:s10] =	ssyncadd.s32 $0xFFFFF800  }
.Ltmp2:
0x74: {  	[bflag:$0x0] =	sbarrier.arrive $0xFFFF;
	(pc) =	sbr.rel @p0 .LBB2_1-.Ltmp2, $4  }
0x75: {  	[hbm:s24], [sflag:s6] =	dma.local [spmem:s9], $0x13C0  }
0x76: {  	_ =	swait.ge [sflag:s10], $0x13C0  }
0x77: {  	[sflag:s10] =	ssyncset.done $0x0  }
0x78: {  	[sflag:s10] =	ssyncadd.s32 $0xFFFFEC40  }
0x79: {  	_ =	sfence.sel $0x180000  }
0x7a: {  	[bflag:$0x0] =	sbarrier.arrive $0xFFFF  }
0x7b: {  	p0 =	sne.s32 s4, $0x0;
	_ =	strace $0x9000004A  }
0x7c: {  	s0 =	sadd.s32 @!p0 $0x100000, s0;
	[bflag:$0x2] =	sbarrier.arrive $0xFFFF  }
0x7d: {  	[sflag:s0] =	ssyncadd.tile.s32 @!p0 $0x1;
	_ =	shalt  }
.Lfunc_end2:
_tile_overlayer_lowered:
.L_overlay_start_2:
0x7e: {  	(tag) =	ssettag $0x2  }
0x7f: {  	s0 =	rddreg [dreg:$0x0];
	s2 =	stileid.u32  }
0x80: {  	s1 =	rddreg [dreg:$0x1];
	p0 =	sne.s32 s2, $0x0  }
0x81: {  	s3 =	rddreg [dreg:$0x2];
	[bflag:$0x3] =	sbarrier.arrive $0xFFFF;
	s2 =	simm.s32 @!p0 $0x1C03  }
0x82: {  	[timem:s3], [sflag:s2] =	dma.local @!p0 [hbm:s0], s1  }
0x83: {  	s0 =	simm.s32 @!p0 $0x3  }
0x84: {  	_ =	swait.ge @!p0 [sflag:s0], s1  }
0x85: {  	s1 =	ssub.s32 @!p0 $0x0, s1;
	[sflag:s0] =	ssyncset.done @!p0 $0x0  }
0x86: {  	[sflag:s0] =	ssyncadd.s32 @!p0 s1  }
0x87: {  	[bflag:$0x3] =	sbarrier.arrive $0xFFFF  }
0x88: {  	_ =	shalt  }

</sc_bundles>
